<compile_context>
chip_gen: v7x
topology: tpu7x:2x2x1
jax: 0.10.2.dev20260603
libtpu: 0.0.44.dev20260713+nightly
codegen_flags: <defaults>
</compile_context>

<pallas_src>
import functools

import jax
import jax.numpy as jnp
import numpy as np
from jax import lax
from jax.experimental import pallas as pl
from jax.experimental.pallas import tpu as pltpu
from jax.experimental.pallas import tpu_sc as plsc

A_CMD = 10
B = 16384
TBL_ROWS = 768
BASE_INSTR = 128
BASE_CMD = 192
BASE_VAL = 224
BASE_TBLA = 480
BASE_TR = 512
D = 256
DH = 128
CHUNK = 128


def _dot_t(a, b):
    return lax.dot_general(a, b, (((1,), (1,)), ((), ())),
                           preferred_element_type=jnp.float32)


def _onehot(idx, width):
    cols = lax.broadcasted_iota(jnp.int32, (idx.shape[0], width), 1)
    return (idx[:, None] == cols).astype(jnp.float32)


def _prep_body(traces2_ref, tables2_ref, instr_meta_ref, synth_waves_ref,
               note_table_ref, w_helix_ref, hel_ref, fx_cmd_ref, fx_val_ref,
               w_fx_ref, w_table_ref, instr_table_ref, w_sw_ref, w_instr_ref,
               tparams_ref, cproj_ref, t_ref):
    fx_cmd = fx_cmd_ref[...]
    fx_val = fx_val_ref[...]
    w_fx = w_fx_ref[...]
    w_table = w_table_ref[...]

    gi = lax.broadcasted_iota(jnp.int32, (32, 512), 0)
    gj = lax.broadcasted_iota(jnp.int32, (32, 512), 1)
    avg = (gi == (gj >> 4)).astype(jnp.float32) * (1.0 / 16.0)

    tc = traces2_ref[:, 0]
    tv = traces2_ref[:, 1]
    row0 = jnp.concatenate(
        [jnp.dot(_onehot(tc, 32), fx_cmd, preferred_element_type=jnp.float32),
         jnp.dot(_onehot(tv, 256), fx_val, preferred_element_type=jnp.float32)],
        axis=-1)
    row0 = _dot_t(row0, w_fx)
    trace_emb = _dot_t(jnp.dot(avg, row0, preferred_element_type=jnp.float32),
                       w_table)

    kc = tables2_ref[:, 0]
    kv = tables2_ref[:, 1]
    val1 = jnp.where(
        (kc == A_CMD)[:, None],
        jnp.dot(_onehot(kv & 31, 32), trace_emb, preferred_element_type=jnp.float32),
        jnp.dot(_onehot(kv, 256), fx_val, preferred_element_type=jnp.float32))
    row1 = jnp.concatenate(
        [jnp.dot(_onehot(kc, 32), fx_cmd, preferred_element_type=jnp.float32),
         val1], axis=-1)
    row1 = _dot_t(row1, w_fx)
    table_emb = _dot_t(jnp.dot(avg, row1, preferred_element_type=jnp.float32),
                       w_table)

    note_emb = note_table_ref[...] + _dot_t(hel_ref[...], w_helix_ref[...])

    m0 = instr_meta_ref[:, 0]
    m1 = instr_meta_ref[:, 1]
    sw = _dot_t(jnp.dot(_onehot(m1, 16), synth_waves_ref[...],
                        preferred_element_type=jnp.float32), w_sw_ref[...])
    instr_feat = _dot_t(
        jnp.concatenate(
            [instr_table_ref[...],
             jnp.dot(_onehot(m0, 32), table_emb, preferred_element_type=jnp.float32),
             sw], axis=-1),
        w_instr_ref[...])

    w_fx_c = w_fx[:, 0:64]
    w_fx_v = w_fx[:, 64:128]
    cmdproj = _dot_t(fx_cmd, w_fx_c)
    valproj = _dot_t(fx_val, w_fx_v)
    tblaproj = _dot_t(table_emb, w_fx_v)

    tvals = lax.broadcasted_iota(jnp.int32, (256, 1), 0).astype(jnp.float32) \
        * (1.0 / 255.0)
    w1 = tparams_ref[0, :][None, :]
    b1 = tparams_ref[1, :][None, :]
    w2 = tparams_ref[2, :][None, :]
    b2 = tparams_ref[3, :][None, :]
    pre = tvals * w2 + b2
    trv = (tvals * w1 + b1) * (1.0 / (1.0 + jnp.exp(-pre)))

    ninth = 1.0 / 9.0
    for c in range(4):
        pc_ = cproj_ref[c]
        t_ref[c] = jnp.concatenate([
            _dot_t(note_emb, pc_[:, 0:128]),
            _dot_t(instr_feat, pc_[:, 128:256]),
            _dot_t(cmdproj, pc_[:, 256:384]) * ninth,
            _dot_t(valproj, pc_[:, 256:384]) * ninth,
            _dot_t(tblaproj, pc_[:, 256:384]) * ninth,
            _dot_t(trv, pc_[:, 384:400]),
        ], axis=0)


def _build_tables(tables_fx, traces_fx, instr_meta, synth_waves, note_table,
                  W_helix, fx_cmd_table, fx_val_table, W_fx, W_table,
                  instr_table, W_sw, W_instr, t_w1, t_b1, t_w2, t_b2,
                  channel_projections):
    n = np.arange(128, dtype=np.float32)
    ang = 2.0 * np.pi * n / 12.0
    hel = np.zeros((128, 8), dtype=np.float32)
    hel[:, 0] = np.cos(ang)
    hel[:, 1] = np.sin(ang)
    hel[:, 2] = n / 128.0
    hel = jnp.asarray(hel)
    w_helix_p = jnp.pad(W_helix, ((0, 0), (0, 5)))
    tparams = jnp.stack([t_w1, t_b1, t_w2, t_b2])
    return pl.pallas_call(
        _prep_body,
        out_shape=jax.ShapeDtypeStruct((4, TBL_ROWS, D), jnp.float32),
    )(traces_fx.reshape(512, 2), tables_fx.reshape(512, 2), instr_meta,
      synth_waves, note_table, w_helix_p, hel, fx_cmd_table, fx_val_table,
      W_fx, W_table, instr_table, W_sw, W_instr, tparams,
      channel_projections)


DW = DH // 2


def _sc_body(t_hbm, steps_hbm, out_hbm, tbl, stp, outc):
    cid = lax.axis_index("c")
    sid = lax.axis_index("s")
    wid = sid * 2 + cid
    ch = wid & 3
    hf = (wid >> 2) & 1
    grp = wid >> 3

    tsz = TBL_ROWS * DW
    pltpu.sync_copy(
        t_hbm.at[pl.ds(pl.multiple_of((ch * 2 + hf) * tsz, 128), tsz)], tbl)

    iota16 = lax.broadcasted_iota(jnp.int32, (16,), 0)

    def chunk_body(chunk, _):
        row0 = pl.multiple_of(grp * (B // 4) + chunk * CHUNK, CHUNK)
        pltpu.sync_copy(steps_hbm.at[ch, :, pl.ds(row0, CHUNK)], stp)

        def g16_body(g, _):
            sl = pl.ds(g * 16, 16)
            ivm = [stp[0, sl] * DW, (stp[1, sl] + BASE_INSTR) * DW]
            for j in range(9):
                kc = 2 + 2 * j
                pc_ = stp[kc, sl]
                pv_ = stp[kc + 1, sl]
                ivm.append((pc_ + BASE_CMD) * DW)
                ivm.append(jnp.where(pc_ == A_CMD,
                                     (pv_ & 31) + BASE_TBLA,
                                     pv_ + BASE_VAL) * DW)
            ivm.append((stp[20, sl] + BASE_TR) * DW)

            rows = g * 16 + iota16

            def d_body(d, _):
                wd = (iota16 + d) & (DW - 1)
                ae = [None, None, None]
                ao = [None, None, None]
                for k in range(21):
                    v = plsc.load_gather(tbl, [ivm[k] + wd])
                    lo = plsc.bitcast(v << 16, jnp.float32)
                    hi = plsc.bitcast(v & jnp.int32(-65536), jnp.float32)
                    i = k % 3
                    ae[i] = lo if ae[i] is None else ae[i] + lo
                    ao[i] = hi if ao[i] is None else ao[i] + hi
                fe = wd * 2
                plsc.store_scatter(outc, [rows, fe], (ae[0] + ae[1]) + ae[2])
                plsc.store_scatter(outc, [rows, fe + 1],
                                   (ao[0] + ao[1]) + ao[2])
                return 0

            lax.fori_loop(0, DW, d_body, 0)
            return 0

        lax.fori_loop(0, CHUNK // 16, g16_body, 0)

        col0 = pl.multiple_of(ch * D + hf * DH, DH)
        pltpu.sync_copy(
            outc, out_hbm.at[pl.ds(row0, CHUNK), pl.ds(col0, DH)])
        return 0

    lax.fori_loop(0, (B // 4) // CHUNK, chunk_body, 0)


def _sc_gather_sum(t_sc, steps_t):
    mesh = plsc.VectorSubcoreMesh(core_axis_name="c", subcore_axis_name="s")
    return pl.kernel(
        _sc_body,
        mesh=mesh,
        compiler_params=pltpu.CompilerParams(needs_layout_passes=False),
        out_type=jax.ShapeDtypeStruct((B, 4 * D), jnp.float32),
        scratch_types=[
            pltpu.VMEM((TBL_ROWS * DW,), jnp.int32),
            pltpu.VMEM((21, CHUNK), jnp.int32),
            pltpu.VMEM((CHUNK, DH), jnp.float32),
        ],
    )(t_sc, steps_t)


def kernel(steps, tables_fx, traces_fx, instr_meta, synth_waves, note_table,
           W_helix, fx_cmd_table, fx_val_table, W_fx, W_table, instr_table,
           W_sw, W_instr, t_w1, t_b1, t_w2, t_b2, channel_projections):
    t_all = _build_tables(tables_fx, traces_fx, instr_meta, synth_waves,
                          note_table, W_helix, fx_cmd_table, fx_val_table,
                          W_fx, W_table, instr_table, W_sw, W_instr,
                          t_w1, t_b1, t_w2, t_b2, channel_projections)
    t_pk = jax.lax.bitcast_convert_type(
        t_all.astype(jnp.bfloat16).reshape(4, TBL_ROWS, 2, DW, 2), jnp.int32)
    t_sc = t_pk.transpose(0, 2, 1, 3).reshape(4 * 2 * TBL_ROWS * DW)
    steps_t = steps.transpose(1, 2, 0)
    return _sc_gather_sum(t_sc, steps_t).reshape(B, 4, D)

# --- scband reference (transcript-rebuilt; emitter-appended) ---
"""Pipeline reference for scband-song-step-embedder-45552423141830 (READ-ONLY COPY).

The authoritative reference and input builder live on the scoring server;
editing this copy changes nothing except your own understanding.
"""

import jax, jax.numpy as jnp
import numpy as np

NUM_NOTES = 128
NUM_INSTR = 64
NUM_FX = 32
NUM_VALS = 256
NUM_TABLES = 32
NUM_TRACES = 32
TABLE_ROWS = 16
NUM_SYNTHS = 16
WAVE_LEN = 32
A_CMD = 10
NOTE_DIM = 128
INSTR_DIM = 128
FX_DIM = 128
TR_DIM = 16
VOUT = 64
SW_DIM = 64
PER_CH = 256
B = 16384


def setup_inputs(seed: int = 0) -> dict:
    key = jax.random.key(seed)
    ks = jax.random.split(key, 24)
    steps = jax.random.randint(ks[0], (B, 4, 21), 0, 32, dtype=jnp.int32)
    tables_fx = jax.random.randint(ks[1], (NUM_TABLES, TABLE_ROWS, 2), 0, 32, dtype=jnp.int32)
    traces_fx = jax.random.randint(ks[2], (NUM_TRACES, TABLE_ROWS, 2), 0, 32, dtype=jnp.int32)
    instr_meta = jax.random.randint(ks[3], (NUM_INSTR, 2), 0, 16, dtype=jnp.int32)
    synth_waves = jax.random.normal(ks[4], (NUM_SYNTHS, WAVE_LEN), dtype=jnp.float32)
    s = 0.02
    note_table = jax.random.normal(ks[5], (NUM_NOTES, NOTE_DIM), dtype=jnp.float32) * s
    W_helix = jax.random.normal(ks[6], (NOTE_DIM, 3), dtype=jnp.float32) * s
    fx_cmd_table = jax.random.normal(ks[7], (NUM_FX, VOUT), dtype=jnp.float32) * s
    fx_val_table = jax.random.normal(ks[8], (NUM_VALS, VOUT), dtype=jnp.float32) * s
    W_fx = jax.random.normal(ks[9], (FX_DIM, 2 * VOUT), dtype=jnp.float32) / np.sqrt(2 * VOUT)
    W_table = jax.random.normal(ks[10], (VOUT, FX_DIM), dtype=jnp.float32) / np.sqrt(FX_DIM)
    instr_table = jax.random.normal(ks[11], (NUM_INSTR, VOUT), dtype=jnp.float32) * s
    W_sw = jax.random.normal(ks[12], (SW_DIM, WAVE_LEN), dtype=jnp.float32) / np.sqrt(WAVE_LEN)
    W_instr = jax.random.normal(ks[13], (INSTR_DIM, 2 * VOUT + SW_DIM), dtype=jnp.float32) / np.sqrt(2 * VOUT + SW_DIM)
    t_w1 = jax.random.normal(ks[14], (TR_DIM,), dtype=jnp.float32) * s
    t_b1 = jnp.zeros((TR_DIM,), dtype=jnp.float32)
    t_w2 = jax.random.normal(ks[15], (TR_DIM,), dtype=jnp.float32) * s
    t_b2 = jnp.zeros((TR_DIM,), dtype=jnp.float32)
    concat_dim = NOTE_DIM + INSTR_DIM + FX_DIM + TR_DIM
    channel_projections = jax.random.normal(ks[16], (4, PER_CH, concat_dim), dtype=jnp.float32) / np.sqrt(concat_dim)
    return {
        "steps": steps,
        "tables_fx": tables_fx,
        "traces_fx": traces_fx,
        "instr_meta": instr_meta,
        "synth_waves": synth_waves,
        "note_table": note_table,
        "W_helix": W_helix,
        "fx_cmd_table": fx_cmd_table,
        "fx_val_table": fx_val_table,
        "W_fx": W_fx,
        "W_table": W_table,
        "instr_table": instr_table,
        "W_sw": W_sw,
        "W_instr": W_instr,
        "t_w1": t_w1,
        "t_b1": t_b1,
        "t_w2": t_w2,
        "t_b2": t_b2,
        "channel_projections": channel_projections,
    }


def reference(steps, tables_fx, traces_fx, instr_meta, synth_waves, note_table, W_helix, fx_cmd_table, fx_val_table, W_fx, W_table, instr_table, W_sw, W_instr, t_w1, t_b1, t_w2, t_b2, channel_projections):
    # --- level-0 FX embedding over the TRACES bank (no A-command recursion) ---
    tc = traces_fx[..., 0]
    tv = traces_fx[..., 1]
    row0 = jnp.concatenate([fx_cmd_table[tc], fx_val_table[tv]], axis=-1) @ W_fx.T
    trace_emb = row0.mean(axis=1) @ W_table.T  # (NUM_TRACES, VOUT)
    # --- level-1 FX embedding over the TABLES bank (A-command -> trace entity) ---
    kc = tables_fx[..., 0]
    kv = tables_fx[..., 1]
    val1 = jnp.where((kc == A_CMD)[..., None], trace_emb[kv % NUM_TRACES], fx_val_table[kv])
    row1 = jnp.concatenate([fx_cmd_table[kc], val1], axis=-1) @ W_fx.T
    table_emb = row1.mean(axis=1) @ W_table.T  # (NUM_TABLES, VOUT)
    # --- note embedding (helix: learned table + periodic helix features) ---
    note = steps[:, :, 0]
    ang = 2.0 * jnp.pi * note.astype(jnp.float32) / 12.0
    hel = jnp.stack([jnp.cos(ang), jnp.sin(ang), note.astype(jnp.float32) / NUM_NOTES], axis=-1)
    note_emb = note_table[note] + hel @ W_helix.T  # (B, 4, NOTE_DIM)
    # --- instrument entity embedding (id table + its table entity + synth waves) ---
    iid = steps[:, :, 1]
    meta = instr_meta[iid]
    sw = synth_waves[meta[..., 1]] @ W_sw.T
    instr_feat = jnp.concatenate([instr_table[iid], table_emb[meta[..., 0]], sw], axis=-1) @ W_instr.T
    # --- phrase-level FX embedding (A-command -> full table entity) ---
    fxp = steps[:, :, 2:20].reshape(steps.shape[0], 4, 9, 2)
    pc = fxp[..., 0]
    pv = fxp[..., 1]
    pval = jnp.where((pc == A_CMD)[..., None], table_emb[pv % NUM_TABLES], fx_val_table[pv])
    fx_rows = jnp.concatenate([fx_cmd_table[pc], pval], axis=-1) @ W_fx.T
    fx_feat = fx_rows.mean(axis=2)  # (B, 4, FX_DIM)
    # --- gated normed transpose embedding ---
    t = steps[:, :, 20].astype(jnp.float32) / 255.0
    tr = (t[..., None] * t_w1 + t_b1) * jax.nn.sigmoid(t[..., None] * t_w2 + t_b2)
    # --- concat + per-channel learned projection ---
    feat = jnp.concatenate([note_emb, instr_feat, fx_feat, tr], axis=-1)  # (B, 4, 400)
    return jnp.einsum('cpk,bck->bcp', channel_projections, feat)  # (B, 4, PER_CH)

if __name__ == "__main__":
    import jax
    _d = setup_inputs()
    print(jax.jit(kernel)(*tuple(_d.values())))

</pallas_src>

<mosaic_0001>
#map = affine_map<(d0, d1) -> (0)>
#map1 = affine_map<(d0, d1) -> (0, 0, 0)>
#map2 = affine_map<(d0, d1) -> (0, 0)>
module attributes {stable_mosaic.version = 14 : i64} {
  func.func @_sc_body(%arg0: i32, %arg1: i32, %arg2: memref<393216xi32, #tpu.memory_space<hbm>>, %arg3: memref<4x21x16384xi32, #tpu.memory_space<hbm>>, %arg4: memref<16384x1024xf32, #tpu.memory_space<hbm>>, %arg5: memref<49152xi32, #tpu.memory_space<vmem>>, %arg6: memref<21x128xi32, #tpu.memory_space<vmem>>, %arg7: memref<128x128xf32, #tpu.memory_space<vmem>>) attributes {dimension_semantics = [#tpu.dimension_semantics<core_parallel>, #tpu.dimension_semantics<subcore_parallel>], iteration_bounds = array<i64: 2, 16>, scalar_prefetch = 0 : i64, scratch_operands = 3 : i64, tpu.core_type = #tpu.core_type<sc_vector_subcore>, window_params = [{transform_indices = #map}, {transform_indices = #map1}, {transform_indices = #map2}]} {
    %mul3A = arith.constant 2 : i32
    %mul3A_0 = arith.muli %arg1, %mul3A : i32
    %add3A = arith.addi %mul3A_0, %arg0 : i32
    %and3A = arith.constant 3 : i32
    %and3A_1 = arith.andi %add3A, %and3A : i32
    %shift_right_arithmetic3A = arith.constant 2 : i32
    %shift_right_arithmetic3A_2 = arith.shrsi %add3A, %shift_right_arithmetic3A : i32
    %and3A_3 = arith.constant 1 : i32
    %and3A_4 = arith.andi %shift_right_arithmetic3A_2, %and3A_3 : i32
    %shift_right_arithmetic3A_5 = arith.constant 3 : i32
    %shift_right_arithmetic3A_6 = arith.shrsi %add3A, %shift_right_arithmetic3A_5 : i32
    %mul3A_7 = arith.constant 2 : i32
    %mul3A_8 = arith.muli %and3A_1, %mul3A_7 : i32
    %add3A_9 = arith.addi %mul3A_8, %and3A_4 : i32
    %mul3A_10 = arith.constant 49152 : i32
    %mul3A_11 = arith.muli %add3A_9, %mul3A_10 : i32
    %multiple_of3A = tpu.assume_multiple %mul3A_11, 128 : i32
    "tpu.region"() ({
      %run_scoped3A = tpu.sem_alloc : memref<!tpu.dma_semaphore, #tpu.memory_space<semaphore_mem>>
      %dma_start3A = tpu.memref_slice %arg2[%multiple_of3A] : memref<393216xi32, #tpu.memory_space<hbm>> -> memref<49152xi32, #tpu.memory_space<hbm>>
      %dma_start3A_18 = tpu.memref_slice %arg2[%multiple_of3A] : memref<393216xi32, #tpu.memory_space<hbm>> -> memref<49152xi32, #tpu.memory_space<hbm>>
      tpu.enqueue_dma source(%dma_start3A_18 : memref<49152xi32, #tpu.memory_space<hbm>>) target(%arg5 : memref<49152xi32, #tpu.memory_space<vmem>>) target_semaphore(%run_scoped3A : memref<!tpu.dma_semaphore, #tpu.memory_space<semaphore_mem>>)
      %dma_wait3A = tpu.memref_slice %arg2[%multiple_of3A] : memref<393216xi32, #tpu.memory_space<hbm>> -> memref<49152xi32, #tpu.memory_space<hbm>>
      %dma_wait3A_19 = tpu.memref_slice %arg2[%multiple_of3A] : memref<393216xi32, #tpu.memory_space<hbm>> -> memref<49152xi32, #tpu.memory_space<hbm>>
      tpu.wait_dma2 semaphore(%run_scoped3A : memref<!tpu.dma_semaphore, #tpu.memory_space<semaphore_mem>>) src(%dma_wait3A_19 : memref<49152xi32, #tpu.memory_space<hbm>>) dst(%arg5 : memref<49152xi32, #tpu.memory_space<vmem>>)
      tpu.yield
    }) : () -> ()
    %iota3A = tpu.iota {dimensions = array<i32: 0>} : vector<16xi32>
    %scan3A = arith.constant 0 : i32
    %scan3A_12 = arith.constant 0 : i32
    %scan3A_13 = arith.constant 32 : i32
    %scan3A_14 = arith.addi %scan3A_12, %scan3A_13 : i32
    %scan3A_15 = arith.constant 1 : i32
    %scan3A_16 = scf.for %scan3A_18 = %scan3A_12 to %scan3A_14 step %scan3A_15 iter_args(%scan3A_19 = %scan3A) -> (i32)  : i32 {
      %mul3A_20 = arith.constant 4096 : i32
      %mul3A_21 = arith.muli %shift_right_arithmetic3A_6, %mul3A_20 : i32
      %mul3A_22 = arith.constant 128 : i32
      %mul3A_23 = arith.muli %scan3A_18, %mul3A_22 : i32
      %add3A_24 = arith.addi %mul3A_21, %mul3A_23 : i32
      %multiple_of3A_25 = tpu.assume_multiple %add3A_24, 128 : i32
      "tpu.region"() ({
        %run_scoped3A = tpu.sem_alloc : memref<!tpu.dma_semaphore, #tpu.memory_space<semaphore_mem>>
        %dma_start3A = arith.constant 0 : i32
        %dma_start3A_40 = tpu.memref_slice %arg3[%and3A_1, %dma_start3A, %multiple_of3A_25] : memref<4x21x16384xi32, #tpu.memory_space<hbm>> -> memref<1x21x128xi32, #tpu.memory_space<hbm>>
        %dma_start3A_41 = tpu.memref_squeeze %dma_start3A_40 : memref<1x21x128xi32, #tpu.memory_space<hbm>> -> memref<21x128xi32, #tpu.memory_space<hbm>>
        %dma_start3A_42 = arith.constant 0 : i32
        %dma_start3A_43 = tpu.memref_slice %arg3[%and3A_1, %dma_start3A_42, %multiple_of3A_25] : memref<4x21x16384xi32, #tpu.memory_space<hbm>> -> memref<1x21x128xi32, #tpu.memory_space<hbm>>
        %dma_start3A_44 = tpu.memref_squeeze %dma_start3A_43 : memref<1x21x128xi32, #tpu.memory_space<hbm>> -> memref<21x128xi32, #tpu.memory_space<hbm>>
        tpu.enqueue_dma source(%dma_start3A_44 : memref<21x128xi32, #tpu.memory_space<hbm>>) target(%arg6 : memref<21x128xi32, #tpu.memory_space<vmem>>) target_semaphore(%run_scoped3A : memref<!tpu.dma_semaphore, #tpu.memory_space<semaphore_mem>>)
        %dma_wait3A = arith.constant 0 : i32
        %dma_wait3A_45 = tpu.memref_slice %arg3[%and3A_1, %dma_wait3A, %multiple_of3A_25] : memref<4x21x16384xi32, #tpu.memory_space<hbm>> -> memref<1x21x128xi32, #tpu.memory_space<hbm>>
        %dma_wait3A_46 = tpu.memref_squeeze %dma_wait3A_45 : memref<1x21x128xi32, #tpu.memory_space<hbm>> -> memref<21x128xi32, #tpu.memory_space<hbm>>
        %dma_wait3A_47 = arith.constant 0 : i32
        %dma_wait3A_48 = tpu.memref_slice %arg3[%and3A_1, %dma_wait3A_47, %multiple_of3A_25] : memref<4x21x16384xi32, #tpu.memory_space<hbm>> -> memref<1x21x128xi32, #tpu.memory_space<hbm>>
        %dma_wait3A_49 = tpu.memref_squeeze %dma_wait3A_48 : memref<1x21x128xi32, #tpu.memory_space<hbm>> -> memref<21x128xi32, #tpu.memory_space<hbm>>
        tpu.wait_dma2 semaphore(%run_scoped3A : memref<!tpu.dma_semaphore, #tpu.memory_space<semaphore_mem>>) src(%dma_wait3A_49 : memref<21x128xi32, #tpu.memory_space<hbm>>) dst(%arg6 : memref<21x128xi32, #tpu.memory_space<vmem>>)
        tpu.yield
      }) : () -> ()
      %scan3A_26 = arith.constant 0 : i32
      %scan3A_27 = arith.constant 0 : i32
      %scan3A_28 = arith.constant 8 : i32
      %scan3A_29 = arith.addi %scan3A_27, %scan3A_28 : i32
      %scan3A_30 = arith.constant 1 : i32
      %scan3A_31 = scf.for %scan3A_40 = %scan3A_27 to %scan3A_29 step %scan3A_30 iter_args(%scan3A_41 = %scan3A_26) -> (i32)  : i32 {
        %mul3A_42 = arith.constant 16 : i32
        %mul3A_43 = arith.muli %scan3A_40, %mul3A_42 : i32
        %get3A = arith.constant 0 : i32
        %get3A_44 = arith.index_cast %get3A : i32 to index
        %get3A_45 = arith.index_cast %mul3A_43 : i32 to index
        %get3A_46 = tpu.vector_load %arg6[%get3A_44, %get3A_45] {strides = array<i32>} : memref<21x128xi32, #tpu.memory_space<vmem>>, vector<16xi32>,
        %mul3A_47 = arith.constant 64 : i32
        %mul3A_48 = vector.broadcast %mul3A_47 : i32 to vector<16xi32>
        %mul3A_49 = arith.muli %get3A_46, %mul3A_48 : vector<16xi32>
        %get3A_50 = arith.constant 1 : i32
        %get3A_51 = arith.index_cast %get3A_50 : i32 to index
        %get3A_52 = arith.index_cast %mul3A_43 : i32 to index
        %get3A_53 = tpu.vector_load %arg6[%get3A_51, %get3A_52] {strides = array<i32>} : memref<21x128xi32, #tpu.memory_space<vmem>>, vector<16xi32>,
        %add3A_54 = arith.constant 128 : i32
        %add3A_55 = vector.broadcast %add3A_54 : i32 to vector<16xi32>
        %add3A_56 = arith.addi %get3A_53, %add3A_55 : vector<16xi32>
        %mul3A_57 = arith.constant 64 : i32
        %mul3A_58 = vector.broadcast %mul3A_57 : i32 to vector<16xi32>
        %mul3A_59 = arith.muli %add3A_56, %mul3A_58 : vector<16xi32>
        %get3A_60 = arith.constant 2 : i32
        %get3A_61 = arith.index_cast %get3A_60 : i32 to index
        %get3A_62 = arith.index_cast %mul3A_43 : i32 to index
        %get3A_63 = tpu.vector_load %arg6[%get3A_61, %get3A_62] {strides = array<i32>} : memref<21x128xi32, #tpu.memory_space<vmem>>, vector<16xi32>,
        %get3A_64 = arith.constant 3 : i32
        %get3A_65 = arith.index_cast %get3A_64 : i32 to index
        %get3A_66 = arith.index_cast %mul3A_43 : i32 to index
        %get3A_67 = tpu.vector_load %arg6[%get3A_65, %get3A_66] {strides = array<i32>} : memref<21x128xi32, #tpu.memory_space<vmem>>, vector<16xi32>,
        %add3A_68 = arith.constant 192 : i32
        %add3A_69 = vector.broadcast %add3A_68 : i32 to vector<16xi32>
        %add3A_70 = arith.addi %get3A_63, %add3A_69 : vector<16xi32>
        %mul3A_71 = arith.constant 64 : i32
        %mul3A_72 = vector.broadcast %mul3A_71 : i32 to vector<16xi32>
        %mul3A_73 = arith.muli %add3A_70, %mul3A_72 : vector<16xi32>
        %eq3A = arith.constant 10 : i32
        %eq3A_74 = vector.broadcast %eq3A : i32 to vector<16xi32>
        %eq3A_75 = arith.cmpi eq, %get3A_63, %eq3A_74 : vector<16xi32>
        %and3A_76 = arith.constant 31 : i32
        %and3A_77 = vector.broadcast %and3A_76 : i32 to vector<16xi32>
        %and3A_78 = arith.andi %get3A_67, %and3A_77 : vector<16xi32>
        %add3A_79 = arith.constant 480 : i32
        %add3A_80 = vector.broadcast %add3A_79 : i32 to vector<16xi32>
        %add3A_81 = arith.addi %and3A_78, %add3A_80 : vector<16xi32>
        %add3A_82 = arith.constant 224 : i32
        %add3A_83 = vector.broadcast %add3A_82 : i32 to vector<16xi32>
        %add3A_84 = arith.addi %get3A_67, %add3A_83 : vector<16xi32>
        %select_n3A = arith.select %eq3A_75, %add3A_81, %add3A_84 : vector<16xi1>, vector<16xi32>
        %mul3A_85 = arith.constant 64 : i32
        %mul3A_86 = vector.broadcast %mul3A_85 : i32 to vector<16xi32>
        %mul3A_87 = arith.muli %select_n3A, %mul3A_86 : vector<16xi32>
        %get3A_88 = arith.constant 4 : i32
        %get3A_89 = arith.index_cast %get3A_88 : i32 to index
        %get3A_90 = arith.index_cast %mul3A_43 : i32 to index
        %get3A_91 = tpu.vector_load %arg6[%get3A_89, %get3A_90] {strides = array<i32>} : memref<21x128xi32, #tpu.memory_space<vmem>>, vector<16xi32>,
        %get3A_92 = arith.constant 5 : i32
        %get3A_93 = arith.index_cast %get3A_92 : i32 to index
        %get3A_94 = arith.index_cast %mul3A_43 : i32 to index
        %get3A_95 = tpu.vector_load %arg6[%get3A_93, %get3A_94] {strides = array<i32>} : memref<21x128xi32, #tpu.memory_space<vmem>>, vector<16xi32>,
        %add3A_96 = arith.constant 192 : i32
        %add3A_97 = vector.broadcast %add3A_96 : i32 to vector<16xi32>
        %add3A_98 = arith.addi %get3A_91, %add3A_97 : vector<16xi32>
        %mul3A_99 = arith.constant 64 : i32
        %mul3A_100 = vector.broadcast %mul3A_99 : i32 to vector<16xi32>
        %mul3A_101 = arith.muli %add3A_98, %mul3A_100 : vector<16xi32>
        %eq3A_102 = arith.constant 10 : i32
        %eq3A_103 = vector.broadcast %eq3A_102 : i32 to vector<16xi32>
        %eq3A_104 = arith.cmpi eq, %get3A_91, %eq3A_103 : vector<16xi32>
        %and3A_105 = arith.constant 31 : i32
        %and3A_106 = vector.broadcast %and3A_105 : i32 to vector<16xi32>
        %and3A_107 = arith.andi %get3A_95, %and3A_106 : vector<16xi32>
        %add3A_108 = arith.constant 480 : i32
        %add3A_109 = vector.broadcast %add3A_108 : i32 to vector<16xi32>
        %add3A_110 = arith.addi %and3A_107, %add3A_109 : vector<16xi32>
        %add3A_111 = arith.constant 224 : i32
        %add3A_112 = vector.broadcast %add3A_111 : i32 to vector<16xi32>
        %add3A_113 = arith.addi %get3A_95, %add3A_112 : vector<16xi32>
        %select_n3A_114 = arith.select %eq3A_104, %add3A_110, %add3A_113 : vector<16xi1>, vector<16xi32>
        %mul3A_115 = arith.constant 64 : i32
        %mul3A_116 = vector.broadcast %mul3A_115 : i32 to vector<16xi32>
        %mul3A_117 = arith.muli %select_n3A_114, %mul3A_116 : vector<16xi32>
        %get3A_118 = arith.constant 6 : i32
        %get3A_119 = arith.index_cast %get3A_118 : i32 to index
        %get3A_120 = arith.index_cast %mul3A_43 : i32 to index
        %get3A_121 = tpu.vector_load %arg6[%get3A_119, %get3A_120] {strides = array<i32>} : memref<21x128xi32, #tpu.memory_space<vmem>>, vector<16xi32>,
        %get3A_122 = arith.constant 7 : i32
        %get3A_123 = arith.index_cast %get3A_122 : i32 to index
        %get3A_124 = arith.index_cast %mul3A_43 : i32 to index
        %get3A_125 = tpu.vector_load %arg6[%get3A_123, %get3A_124] {strides = array<i32>} : memref<21x128xi32, #tpu.memory_space<vmem>>, vector<16xi32>,
        %add3A_126 = arith.constant 192 : i32
        %add3A_127 = vector.broadcast %add3A_126 : i32 to vector<16xi32>
        %add3A_128 = arith.addi %get3A_121, %add3A_127 : vector<16xi32>
        %mul3A_129 = arith.constant 64 : i32
        %mul3A_130 = vector.broadcast %mul3A_129 : i32 to vector<16xi32>
        %mul3A_131 = arith.muli %add3A_128, %mul3A_130 : vector<16xi32>
        %eq3A_132 = arith.constant 10 : i32
        %eq3A_133 = vector.broadcast %eq3A_132 : i32 to vector<16xi32>
        %eq3A_134 = arith.cmpi eq, %get3A_121, %eq3A_133 : vector<16xi32>
        %and3A_135 = arith.constant 31 : i32
        %and3A_136 = vector.broadcast %and3A_135 : i32 to vector<16xi32>
        %and3A_137 = arith.andi %get3A_125, %and3A_136 : vector<16xi32>
        %add3A_138 = arith.constant 480 : i32
        %add3A_139 = vector.broadcast %add3A_138 : i32 to vector<16xi32>
        %add3A_140 = arith.addi %and3A_137, %add3A_139 : vector<16xi32>
        %add3A_141 = arith.constant 224 : i32
        %add3A_142 = vector.broadcast %add3A_141 : i32 to vector<16xi32>
        %add3A_143 = arith.addi %get3A_125, %add3A_142 : vector<16xi32>
        %select_n3A_144 = arith.select %eq3A_134, %add3A_140, %add3A_143 : vector<16xi1>, vector<16xi32>
        %mul3A_145 = arith.constant 64 : i32
        %mul3A_146 = vector.broadcast %mul3A_145 : i32 to vector<16xi32>
        %mul3A_147 = arith.muli %select_n3A_144, %mul3A_146 : vector<16xi32>
        %get3A_148 = arith.constant 8 : i32
        %get3A_149 = arith.index_cast %get3A_148 : i32 to index
        %get3A_150 = arith.index_cast %mul3A_43 : i32 to index
        %get3A_151 = tpu.vector_load %arg6[%get3A_149, %get3A_150] {strides = array<i32>} : memref<21x128xi32, #tpu.memory_space<vmem>>, vector<16xi32>,
        %get3A_152 = arith.constant 9 : i32
        %get3A_153 = arith.index_cast %get3A_152 : i32 to index
        %get3A_154 = arith.index_cast %mul3A_43 : i32 to index
        %get3A_155 = tpu.vector_load %arg6[%get3A_153, %get3A_154] {strides = array<i32>} : memref<21x128xi32, #tpu.memory_space<vmem>>, vector<16xi32>,
        %add3A_156 = arith.constant 192 : i32
        %add3A_157 = vector.broadcast %add3A_156 : i32 to vector<16xi32>
        %add3A_158 = arith.addi %get3A_151, %add3A_157 : vector<16xi32>
        %mul3A_159 = arith.constant 64 : i32
        %mul3A_160 = vector.broadcast %mul3A_159 : i32 to vector<16xi32>
        %mul3A_161 = arith.muli %add3A_158, %mul3A_160 : vector<16xi32>
        %eq3A_162 = arith.constant 10 : i32
        %eq3A_163 = vector.broadcast %eq3A_162 : i32 to vector<16xi32>
        %eq3A_164 = arith.cmpi eq, %get3A_151, %eq3A_163 : vector<16xi32>
        %and3A_165 = arith.constant 31 : i32
        %and3A_166 = vector.broadcast %and3A_165 : i32 to vector<16xi32>
        %and3A_167 = arith.andi %get3A_155, %and3A_166 : vector<16xi32>
        %add3A_168 = arith.constant 480 : i32
        %add3A_169 = vector.broadcast %add3A_168 : i32 to vector<16xi32>
        %add3A_170 = arith.addi %and3A_167, %add3A_169 : vector<16xi32>
        %add3A_171 = arith.constant 224 : i32
        %add3A_172 = vector.broadcast %add3A_171 : i32 to vector<16xi32>
        %add3A_173 = arith.addi %get3A_155, %add3A_172 : vector<16xi32>
        %select_n3A_174 = arith.select %eq3A_164, %add3A_170, %add3A_173 : vector<16xi1>, vector<16xi32>
        %mul3A_175 = arith.constant 64 : i32
        %mul3A_176 = vector.broadcast %mul3A_175 : i32 to vector<16xi32>
        %mul3A_177 = arith.muli %select_n3A_174, %mul3A_176 : vector<16xi32>
        %get3A_178 = arith.constant 10 : i32
        %get3A_179 = arith.index_cast %get3A_178 : i32 to index
        %get3A_180 = arith.index_cast %mul3A_43 : i32 to index
        %get3A_181 = tpu.vector_load %arg6[%get3A_179, %get3A_180] {strides = array<i32>} : memref<21x128xi32, #tpu.memory_space<vmem>>, vector<16xi32>,
        %get3A_182 = arith.constant 11 : i32
        %get3A_183 = arith.index_cast %get3A_182 : i32 to index
        %get3A_184 = arith.index_cast %mul3A_43 : i32 to index
        %get3A_185 = tpu.vector_load %arg6[%get3A_183, %get3A_184] {strides = array<i32>} : memref<21x128xi32, #tpu.memory_space<vmem>>, vector<16xi32>,
        %add3A_186 = arith.constant 192 : i32
        %add3A_187 = vector.broadcast %add3A_186 : i32 to vector<16xi32>
        %add3A_188 = arith.addi %get3A_181, %add3A_187 : vector<16xi32>
        %mul3A_189 = arith.constant 64 : i32
        %mul3A_190 = vector.broadcast %mul3A_189 : i32 to vector<16xi32>
        %mul3A_191 = arith.muli %add3A_188, %mul3A_190 : vector<16xi32>
        %eq3A_192 = arith.constant 10 : i32
        %eq3A_193 = vector.broadcast %eq3A_192 : i32 to vector<16xi32>
        %eq3A_194 = arith.cmpi eq, %get3A_181, %eq3A_193 : vector<16xi32>
        %and3A_195 = arith.constant 31 : i32
        %and3A_196 = vector.broadcast %and3A_195 : i32 to vector<16xi32>
        %and3A_197 = arith.andi %get3A_185, %and3A_196 : vector<16xi32>
        %add3A_198 = arith.constant 480 : i32
        %add3A_199 = vector.broadcast %add3A_198 : i32 to vector<16xi32>
        %add3A_200 = arith.addi %and3A_197, %add3A_199 : vector<16xi32>
        %add3A_201 = arith.constant 224 : i32
        %add3A_202 = vector.broadcast %add3A_201 : i32 to vector<16xi32>
        %add3A_203 = arith.addi %get3A_185, %add3A_202 : vector<16xi32>
        %select_n3A_204 = arith.select %eq3A_194, %add3A_200, %add3A_203 : vector<16xi1>, vector<16xi32>
        %mul3A_205 = arith.constant 64 : i32
        %mul3A_206 = vector.broadcast %mul3A_205 : i32 to vector<16xi32>
        %mul3A_207 = arith.muli %select_n3A_204, %mul3A_206 : vector<16xi32>
        %get3A_208 = arith.constant 12 : i32
        %get3A_209 = arith.index_cast %get3A_208 : i32 to index
        %get3A_210 = arith.index_cast %mul3A_43 : i32 to index
        %get3A_211 = tpu.vector_load %arg6[%get3A_209, %get3A_210] {strides = array<i32>} : memref<21x128xi32, #tpu.memory_space<vmem>>, vector<16xi32>,
        %get3A_212 = arith.constant 13 : i32
        %get3A_213 = arith.index_cast %get3A_212 : i32 to index
        %get3A_214 = arith.index_cast %mul3A_43 : i32 to index
        %get3A_215 = tpu.vector_load %arg6[%get3A_213, %get3A_214] {strides = array<i32>} : memref<21x128xi32, #tpu.memory_space<vmem>>, vector<16xi32>,
        %add3A_216 = arith.constant 192 : i32
        %add3A_217 = vector.broadcast %add3A_216 : i32 to vector<16xi32>
        %add3A_218 = arith.addi %get3A_211, %add3A_217 : vector<16xi32>
        %mul3A_219 = arith.constant 64 : i32
        %mul3A_220 = vector.broadcast %mul3A_219 : i32 to vector<16xi32>
        %mul3A_221 = arith.muli %add3A_218, %mul3A_220 : vector<16xi32>
        %eq3A_222 = arith.constant 10 : i32
        %eq3A_223 = vector.broadcast %eq3A_222 : i32 to vector<16xi32>
        %eq3A_224 = arith.cmpi eq, %get3A_211, %eq3A_223 : vector<16xi32>
        %and3A_225 = arith.constant 31 : i32
        %and3A_226 = vector.broadcast %and3A_225 : i32 to vector<16xi32>
        %and3A_227 = arith.andi %get3A_215, %and3A_226 : vector<16xi32>
        %add3A_228 = arith.constant 480 : i32
        %add3A_229 = vector.broadcast %add3A_228 : i32 to vector<16xi32>
        %add3A_230 = arith.addi %and3A_227, %add3A_229 : vector<16xi32>
        %add3A_231 = arith.constant 224 : i32
        %add3A_232 = vector.broadcast %add3A_231 : i32 to vector<16xi32>
        %add3A_233 = arith.addi %get3A_215, %add3A_232 : vector<16xi32>
        %select_n3A_234 = arith.select %eq3A_224, %add3A_230, %add3A_233 : vector<16xi1>, vector<16xi32>
        %mul3A_235 = arith.constant 64 : i32
        %mul3A_236 = vector.broadcast %mul3A_235 : i32 to vector<16xi32>
        %mul3A_237 = arith.muli %select_n3A_234, %mul3A_236 : vector<16xi32>
        %get3A_238 = arith.constant 14 : i32
        %get3A_239 = arith.index_cast %get3A_238 : i32 to index
        %get3A_240 = arith.index_cast %mul3A_43 : i32 to index
        %get3A_241 = tpu.vector_load %arg6[%get3A_239, %get3A_240] {strides = array<i32>} : memref<21x128xi32, #tpu.memory_space<vmem>>, vector<16xi32>,
        %get3A_242 = arith.constant 15 : i32
        %get3A_243 = arith.index_cast %get3A_242 : i32 to index
        %get3A_244 = arith.index_cast %mul3A_43 : i32 to index
        %get3A_245 = tpu.vector_load %arg6[%get3A_243, %get3A_244] {strides = array<i32>} : memref<21x128xi32, #tpu.memory_space<vmem>>, vector<16xi32>,
        %add3A_246 = arith.constant 192 : i32
        %add3A_247 = vector.broadcast %add3A_246 : i32 to vector<16xi32>
        %add3A_248 = arith.addi %get3A_241, %add3A_247 : vector<16xi32>
        %mul3A_249 = arith.constant 64 : i32
        %mul3A_250 = vector.broadcast %mul3A_249 : i32 to vector<16xi32>
        %mul3A_251 = arith.muli %add3A_248, %mul3A_250 : vector<16xi32>
        %eq3A_252 = arith.constant 10 : i32
        %eq3A_253 = vector.broadcast %eq3A_252 : i32 to vector<16xi32>
        %eq3A_254 = arith.cmpi eq, %get3A_241, %eq3A_253 : vector<16xi32>
        %and3A_255 = arith.constant 31 : i32
        %and3A_256 = vector.broadcast %and3A_255 : i32 to vector<16xi32>
        %and3A_257 = arith.andi %get3A_245, %and3A_256 : vector<16xi32>
        %add3A_258 = arith.constant 480 : i32
        %add3A_259 = vector.broadcast %add3A_258 : i32 to vector<16xi32>
        %add3A_260 = arith.addi %and3A_257, %add3A_259 : vector<16xi32>
        %add3A_261 = arith.constant 224 : i32
        %add3A_262 = vector.broadcast %add3A_261 : i32 to vector<16xi32>
        %add3A_263 = arith.addi %get3A_245, %add3A_262 : vector<16xi32>
        %select_n3A_264 = arith.select %eq3A_254, %add3A_260, %add3A_263 : vector<16xi1>, vector<16xi32>
        %mul3A_265 = arith.constant 64 : i32
        %mul3A_266 = vector.broadcast %mul3A_265 : i32 to vector<16xi32>
        %mul3A_267 = arith.muli %select_n3A_264, %mul3A_266 : vector<16xi32>
        %get3A_268 = arith.constant 16 : i32
        %get3A_269 = arith.index_cast %get3A_268 : i32 to index
        %get3A_270 = arith.index_cast %mul3A_43 : i32 to index
        %get3A_271 = tpu.vector_load %arg6[%get3A_269, %get3A_270] {strides = array<i32>} : memref<21x128xi32, #tpu.memory_space<vmem>>, vector<16xi32>,
        %get3A_272 = arith.constant 17 : i32
        %get3A_273 = arith.index_cast %get3A_272 : i32 to index
        %get3A_274 = arith.index_cast %mul3A_43 : i32 to index
        %get3A_275 = tpu.vector_load %arg6[%get3A_273, %get3A_274] {strides = array<i32>} : memref<21x128xi32, #tpu.memory_space<vmem>>, vector<16xi32>,
        %add3A_276 = arith.constant 192 : i32
        %add3A_277 = vector.broadcast %add3A_276 : i32 to vector<16xi32>
        %add3A_278 = arith.addi %get3A_271, %add3A_277 : vector<16xi32>
        %mul3A_279 = arith.constant 64 : i32
        %mul3A_280 = vector.broadcast %mul3A_279 : i32 to vector<16xi32>
        %mul3A_281 = arith.muli %add3A_278, %mul3A_280 : vector<16xi32>
        %eq3A_282 = arith.constant 10 : i32
        %eq3A_283 = vector.broadcast %eq3A_282 : i32 to vector<16xi32>
        %eq3A_284 = arith.cmpi eq, %get3A_271, %eq3A_283 : vector<16xi32>
        %and3A_285 = arith.constant 31 : i32
        %and3A_286 = vector.broadcast %and3A_285 : i32 to vector<16xi32>
        %and3A_287 = arith.andi %get3A_275, %and3A_286 : vector<16xi32>
        %add3A_288 = arith.constant 480 : i32
        %add3A_289 = vector.broadcast %add3A_288 : i32 to vector<16xi32>
        %add3A_290 = arith.addi %and3A_287, %add3A_289 : vector<16xi32>
        %add3A_291 = arith.constant 224 : i32
        %add3A_292 = vector.broadcast %add3A_291 : i32 to vector<16xi32>
        %add3A_293 = arith.addi %get3A_275, %add3A_292 : vector<16xi32>
        %select_n3A_294 = arith.select %eq3A_284, %add3A_290, %add3A_293 : vector<16xi1>, vector<16xi32>
        %mul3A_295 = arith.constant 64 : i32
        %mul3A_296 = vector.broadcast %mul3A_295 : i32 to vector<16xi32>
        %mul3A_297 = arith.muli %select_n3A_294, %mul3A_296 : vector<16xi32>
        %get3A_298 = arith.constant 18 : i32
        %get3A_299 = arith.index_cast %get3A_298 : i32 to index
        %get3A_300 = arith.index_cast %mul3A_43 : i32 to index
        %get3A_301 = tpu.vector_load %arg6[%get3A_299, %get3A_300] {strides = array<i32>} : memref<21x128xi32, #tpu.memory_space<vmem>>, vector<16xi32>,
        %get3A_302 = arith.constant 19 : i32
        %get3A_303 = arith.index_cast %get3A_302 : i32 to index
        %get3A_304 = arith.index_cast %mul3A_43 : i32 to index
        %get3A_305 = tpu.vector_load %arg6[%get3A_303, %get3A_304] {strides = array<i32>} : memref<21x128xi32, #tpu.memory_space<vmem>>, vector<16xi32>,
        %add3A_306 = arith.constant 192 : i32
        %add3A_307 = vector.broadcast %add3A_306 : i32 to vector<16xi32>
        %add3A_308 = arith.addi %get3A_301, %add3A_307 : vector<16xi32>
        %mul3A_309 = arith.constant 64 : i32
        %mul3A_310 = vector.broadcast %mul3A_309 : i32 to vector<16xi32>
        %mul3A_311 = arith.muli %add3A_308, %mul3A_310 : vector<16xi32>
        %eq3A_312 = arith.constant 10 : i32
        %eq3A_313 = vector.broadcast %eq3A_312 : i32 to vector<16xi32>
        %eq3A_314 = arith.cmpi eq, %get3A_301, %eq3A_313 : vector<16xi32>
        %and3A_315 = arith.constant 31 : i32
        %and3A_316 = vector.broadcast %and3A_315 : i32 to vector<16xi32>
        %and3A_317 = arith.andi %get3A_305, %and3A_316 : vector<16xi32>
        %add3A_318 = arith.constant 480 : i32
        %add3A_319 = vector.broadcast %add3A_318 : i32 to vector<16xi32>
        %add3A_320 = arith.addi %and3A_317, %add3A_319 : vector<16xi32>
        %add3A_321 = arith.constant 224 : i32
        %add3A_322 = vector.broadcast %add3A_321 : i32 to vector<16xi32>
        %add3A_323 = arith.addi %get3A_305, %add3A_322 : vector<16xi32>
        %select_n3A_324 = arith.select %eq3A_314, %add3A_320, %add3A_323 : vector<16xi1>, vector<16xi32>
        %mul3A_325 = arith.constant 64 : i32
        %mul3A_326 = vector.broadcast %mul3A_325 : i32 to vector<16xi32>
        %mul3A_327 = arith.muli %select_n3A_324, %mul3A_326 : vector<16xi32>
        %get3A_328 = arith.constant 20 : i32
        %get3A_329 = arith.index_cast %get3A_328 : i32 to index
        %get3A_330 = arith.index_cast %mul3A_43 : i32 to index
        %get3A_331 = tpu.vector_load %arg6[%get3A_329, %get3A_330] {strides = array<i32>} : memref<21x128xi32, #tpu.memory_space<vmem>>, vector<16xi32>,
        %add3A_332 = arith.constant 512 : i32
        %add3A_333 = vector.broadcast %add3A_332 : i32 to vector<16xi32>
        %add3A_334 = arith.addi %get3A_331, %add3A_333 : vector<16xi32>
        %mul3A_335 = arith.constant 64 : i32
        %mul3A_336 = vector.broadcast %mul3A_335 : i32 to vector<16xi32>
        %mul3A_337 = arith.muli %add3A_334, %mul3A_336 : vector<16xi32>
        %mul3A_338 = arith.constant 16 : i32
        %mul3A_339 = arith.muli %scan3A_40, %mul3A_338 : i32
        %add3A_340 = vector.broadcast %mul3A_339 : i32 to vector<16xi32>
        %add3A_341 = arith.addi %add3A_340, %iota3A : vector<16xi32>
        %scan3A_342 = arith.constant 0 : i32
        %scan3A_343 = arith.constant 0 : i32
        %scan3A_344 = arith.constant 64 : i32
        %scan3A_345 = arith.addi %scan3A_343, %scan3A_344 : i32
        %scan3A_346 = arith.constant 1 : i32
        %scan3A_347 = scf.for %scan3A_350 = %scan3A_343 to %scan3A_345 step %scan3A_346 iter_args(%scan3A_351 = %scan3A_342) -> (i32)  : i32 {
          %add3A_352 = vector.broadcast %scan3A_350 : i32 to vector<16xi32>
          %add3A_353 = arith.addi %iota3A, %add3A_352 : vector<16xi32>
          %and3A_354 = arith.constant 63 : i32
          %and3A_355 = vector.broadcast %and3A_354 : i32 to vector<16xi32>
          %and3A_356 = arith.andi %add3A_353, %and3A_355 : vector<16xi32>
          %add3A_357 = arith.addi %mul3A_49, %and3A_356 : vector<16xi32>
          %gather3A = tpu.vector_load_idx %arg5[%add3A_357] : memref<49152xi32, #tpu.memory_space<vmem>>[vector<16xi32>], vector<16xi32>,
          %shift_left3A = arith.constant 16 : i32
          %shift_left3A_358 = vector.broadcast %shift_left3A : i32 to vector<16xi32>
          %shift_left3A_359 = arith.shli %gather3A, %shift_left3A_358 : vector<16xi32>
          %bitcast3A = vector.bitcast %shift_left3A_359 : vector<16xi32> to vector<16xf32>
          %and3A_360 = arith.constant -65536 : i32
          %and3A_361 = vector.broadcast %and3A_360 : i32 to vector<16xi32>
          %and3A_362 = arith.andi %gather3A, %and3A_361 : vector<16xi32>
          %bitcast3A_363 = vector.bitcast %and3A_362 : vector<16xi32> to vector<16xf32>
          %add3A_364 = arith.addi %mul3A_59, %and3A_356 : vector<16xi32>
          %gather3A_365 = tpu.vector_load_idx %arg5[%add3A_364] : memref<49152xi32, #tpu.memory_space<vmem>>[vector<16xi32>], vector<16xi32>,
          %shift_left3A_366 = arith.constant 16 : i32
          %shift_left3A_367 = vector.broadcast %shift_left3A_366 : i32 to vector<16xi32>
          %shift_left3A_368 = arith.shli %gather3A_365, %shift_left3A_367 : vector<16xi32>
          %bitcast3A_369 = vector.bitcast %shift_left3A_368 : vector<16xi32> to vector<16xf32>
          %and3A_370 = arith.constant -65536 : i32
          %and3A_371 = vector.broadcast %and3A_370 : i32 to vector<16xi32>
          %and3A_372 = arith.andi %gather3A_365, %and3A_371 : vector<16xi32>
          %bitcast3A_373 = vector.bitcast %and3A_372 : vector<16xi32> to vector<16xf32>
          %add3A_374 = arith.addi %mul3A_73, %and3A_356 : vector<16xi32>
          %gather3A_375 = tpu.vector_load_idx %arg5[%add3A_374] : memref<49152xi32, #tpu.memory_space<vmem>>[vector<16xi32>], vector<16xi32>,
          %shift_left3A_376 = arith.constant 16 : i32
          %shift_left3A_377 = vector.broadcast %shift_left3A_376 : i32 to vector<16xi32>
          %shift_left3A_378 = arith.shli %gather3A_375, %shift_left3A_377 : vector<16xi32>
          %bitcast3A_379 = vector.bitcast %shift_left3A_378 : vector<16xi32> to vector<16xf32>
          %and3A_380 = arith.constant -65536 : i32
          %and3A_381 = vector.broadcast %and3A_380 : i32 to vector<16xi32>
          %and3A_382 = arith.andi %gather3A_375, %and3A_381 : vector<16xi32>
          %bitcast3A_383 = vector.bitcast %and3A_382 : vector<16xi32> to vector<16xf32>
          %add3A_384 = arith.addi %mul3A_87, %and3A_356 : vector<16xi32>
          %gather3A_385 = tpu.vector_load_idx %arg5[%add3A_384] : memref<49152xi32, #tpu.memory_space<vmem>>[vector<16xi32>], vector<16xi32>,
          %shift_left3A_386 = arith.constant 16 : i32
          %shift_left3A_387 = vector.broadcast %shift_left3A_386 : i32 to vector<16xi32>
          %shift_left3A_388 = arith.shli %gather3A_385, %shift_left3A_387 : vector<16xi32>
          %bitcast3A_389 = vector.bitcast %shift_left3A_388 : vector<16xi32> to vector<16xf32>
          %and3A_390 = arith.constant -65536 : i32
          %and3A_391 = vector.broadcast %and3A_390 : i32 to vector<16xi32>
          %and3A_392 = arith.andi %gather3A_385, %and3A_391 : vector<16xi32>
          %bitcast3A_393 = vector.bitcast %and3A_392 : vector<16xi32> to vector<16xf32>
          %add3A_394 = arith.addf %bitcast3A, %bitcast3A_389 : vector<16xf32>
          %add3A_395 = arith.addf %bitcast3A_363, %bitcast3A_393 : vector<16xf32>
          %add3A_396 = arith.addi %mul3A_101, %and3A_356 : vector<16xi32>
          %gather3A_397 = tpu.vector_load_idx %arg5[%add3A_396] : memref<49152xi32, #tpu.memory_space<vmem>>[vector<16xi32>], vector<16xi32>,
          %shift_left3A_398 = arith.constant 16 : i32
          %shift_left3A_399 = vector.broadcast %shift_left3A_398 : i32 to vector<16xi32>
          %shift_left3A_400 = arith.shli %gather3A_397, %shift_left3A_399 : vector<16xi32>
          %bitcast3A_401 = vector.bitcast %shift_left3A_400 : vector<16xi32> to vector<16xf32>
          %and3A_402 = arith.constant -65536 : i32
          %and3A_403 = vector.broadcast %and3A_402 : i32 to vector<16xi32>
          %and3A_404 = arith.andi %gather3A_397, %and3A_403 : vector<16xi32>
          %bitcast3A_405 = vector.bitcast %and3A_404 : vector<16xi32> to vector<16xf32>
          %add3A_406 = arith.addf %bitcast3A_369, %bitcast3A_401 : vector<16xf32>
          %add3A_407 = arith.addf %bitcast3A_373, %bitcast3A_405 : vector<16xf32>
          %add3A_408 = arith.addi %mul3A_117, %and3A_356 : vector<16xi32>
          %gather3A_409 = tpu.vector_load_idx %arg5[%add3A_408] : memref<49152xi32, #tpu.memory_space<vmem>>[vector<16xi32>], vector<16xi32>,
          %shift_left3A_410 = arith.constant 16 : i32
          %shift_left3A_411 = vector.broadcast %shift_left3A_410 : i32 to vector<16xi32>
          %shift_left3A_412 = arith.shli %gather3A_409, %shift_left3A_411 : vector<16xi32>
          %bitcast3A_413 = vector.bitcast %shift_left3A_412 : vector<16xi32> to vector<16xf32>
          %and3A_414 = arith.constant -65536 : i32
          %and3A_415 = vector.broadcast %and3A_414 : i32 to vector<16xi32>
          %and3A_416 = arith.andi %gather3A_409, %and3A_415 : vector<16xi32>
          %bitcast3A_417 = vector.bitcast %and3A_416 : vector<16xi32> to vector<16xf32>
          %add3A_418 = arith.addf %bitcast3A_379, %bitcast3A_413 : vector<16xf32>
          %add3A_419 = arith.addf %bitcast3A_383, %bitcast3A_417 : vector<16xf32>
          %add3A_420 = arith.addi %mul3A_131, %and3A_356 : vector<16xi32>
          %gather3A_421 = tpu.vector_load_idx %arg5[%add3A_420] : memref<49152xi32, #tpu.memory_space<vmem>>[vector<16xi32>], vector<16xi32>,
          %shift_left3A_422 = arith.constant 16 : i32
          %shift_left3A_423 = vector.broadcast %shift_left3A_422 : i32 to vector<16xi32>
          %shift_left3A_424 = arith.shli %gather3A_421, %shift_left3A_423 : vector<16xi32>
          %bitcast3A_425 = vector.bitcast %shift_left3A_424 : vector<16xi32> to vector<16xf32>
          %and3A_426 = arith.constant -65536 : i32
          %and3A_427 = vector.broadcast %and3A_426 : i32 to vector<16xi32>
          %and3A_428 = arith.andi %gather3A_421, %and3A_427 : vector<16xi32>
          %bitcast3A_429 = vector.bitcast %and3A_428 : vector<16xi32> to vector<16xf32>
          %add3A_430 = arith.addf %add3A_394, %bitcast3A_425 : vector<16xf32>
          %add3A_431 = arith.addf %add3A_395, %bitcast3A_429 : vector<16xf32>
          %add3A_432 = arith.addi %mul3A_147, %and3A_356 : vector<16xi32>
          %gather3A_433 = tpu.vector_load_idx %arg5[%add3A_432] : memref<49152xi32, #tpu.memory_space<vmem>>[vector<16xi32>], vector<16xi32>,
          %shift_left3A_434 = arith.constant 16 : i32
          %shift_left3A_435 = vector.broadcast %shift_left3A_434 : i32 to vector<16xi32>
          %shift_left3A_436 = arith.shli %gather3A_433, %shift_left3A_435 : vector<16xi32>
          %bitcast3A_437 = vector.bitcast %shift_left3A_436 : vector<16xi32> to vector<16xf32>
          %and3A_438 = arith.constant -65536 : i32
          %and3A_439 = vector.broadcast %and3A_438 : i32 to vector<16xi32>
          %and3A_440 = arith.andi %gather3A_433, %and3A_439 : vector<16xi32>
          %bitcast3A_441 = vector.bitcast %and3A_440 : vector<16xi32> to vector<16xf32>
          %add3A_442 = arith.addf %add3A_406, %bitcast3A_437 : vector<16xf32>
          %add3A_443 = arith.addf %add3A_407, %bitcast3A_441 : vector<16xf32>
          %add3A_444 = arith.addi %mul3A_161, %and3A_356 : vector<16xi32>
          %gather3A_445 = tpu.vector_load_idx %arg5[%add3A_444] : memref<49152xi32, #tpu.memory_space<vmem>>[vector<16xi32>], vector<16xi32>,
          %shift_left3A_446 = arith.constant 16 : i32
          %shift_left3A_447 = vector.broadcast %shift_left3A_446 : i32 to vector<16xi32>
          %shift_left3A_448 = arith.shli %gather3A_445, %shift_left3A_447 : vector<16xi32>
          %bitcast3A_449 = vector.bitcast %shift_left3A_448 : vector<16xi32> to vector<16xf32>
          %and3A_450 = arith.constant -65536 : i32
          %and3A_451 = vector.broadcast %and3A_450 : i32 to vector<16xi32>
          %and3A_452 = arith.andi %gather3A_445, %and3A_451 : vector<16xi32>
          %bitcast3A_453 = vector.bitcast %and3A_452 : vector<16xi32> to vector<16xf32>
          %add3A_454 = arith.addf %add3A_418, %bitcast3A_449 : vector<16xf32>
          %add3A_455 = arith.addf %add3A_419, %bitcast3A_453 : vector<16xf32>
          %add3A_456 = arith.addi %mul3A_177, %and3A_356 : vector<16xi32>
          %gather3A_457 = tpu.vector_load_idx %arg5[%add3A_456] : memref<49152xi32, #tpu.memory_space<vmem>>[vector<16xi32>], vector<16xi32>,
          %shift_left3A_458 = arith.constant 16 : i32
          %shift_left3A_459 = vector.broadcast %shift_left3A_458 : i32 to vector<16xi32>
          %shift_left3A_460 = arith.shli %gather3A_457, %shift_left3A_459 : vector<16xi32>
          %bitcast3A_461 = vector.bitcast %shift_left3A_460 : vector<16xi32> to vector<16xf32>
          %and3A_462 = arith.constant -65536 : i32
          %and3A_463 = vector.broadcast %and3A_462 : i32 to vector<16xi32>
          %and3A_464 = arith.andi %gather3A_457, %and3A_463 : vector<16xi32>
          %bitcast3A_465 = vector.bitcast %and3A_464 : vector<16xi32> to vector<16xf32>
          %add3A_466 = arith.addf %add3A_430, %bitcast3A_461 : vector<16xf32>
          %add3A_467 = arith.addf %add3A_431, %bitcast3A_465 : vector<16xf32>
          %add3A_468 = arith.addi %mul3A_191, %and3A_356 : vector<16xi32>
          %gather3A_469 = tpu.vector_load_idx %arg5[%add3A_468] : memref<49152xi32, #tpu.memory_space<vmem>>[vector<16xi32>], vector<16xi32>,
          %shift_left3A_470 = arith.constant 16 : i32
          %shift_left3A_471 = vector.broadcast %shift_left3A_470 : i32 to vector<16xi32>
          %shift_left3A_472 = arith.shli %gather3A_469, %shift_left3A_471 : vector<16xi32>
          %bitcast3A_473 = vector.bitcast %shift_left3A_472 : vector<16xi32> to vector<16xf32>
          %and3A_474 = arith.constant -65536 : i32
          %and3A_475 = vector.broadcast %and3A_474 : i32 to vector<16xi32>
          %and3A_476 = arith.andi %gather3A_469, %and3A_475 : vector<16xi32>
          %bitcast3A_477 = vector.bitcast %and3A_476 : vector<16xi32> to vector<16xf32>
          %add3A_478 = arith.addf %add3A_442, %bitcast3A_473 : vector<16xf32>
          %add3A_479 = arith.addf %add3A_443, %bitcast3A_477 : vector<16xf32>
          %add3A_480 = arith.addi %mul3A_207, %and3A_356 : vector<16xi32>
          %gather3A_481 = tpu.vector_load_idx %arg5[%add3A_480] : memref<49152xi32, #tpu.memory_space<vmem>>[vector<16xi32>], vector<16xi32>,
          %shift_left3A_482 = arith.constant 16 : i32
          %shift_left3A_483 = vector.broadcast %shift_left3A_482 : i32 to vector<16xi32>
          %shift_left3A_484 = arith.shli %gather3A_481, %shift_left3A_483 : vector<16xi32>
          %bitcast3A_485 = vector.bitcast %shift_left3A_484 : vector<16xi32> to vector<16xf32>
          %and3A_486 = arith.constant -65536 : i32
          %and3A_487 = vector.broadcast %and3A_486 : i32 to vector<16xi32>
          %and3A_488 = arith.andi %gather3A_481, %and3A_487 : vector<16xi32>
          %bitcast3A_489 = vector.bitcast %and3A_488 : vector<16xi32> to vector<16xf32>
          %add3A_490 = arith.addf %add3A_454, %bitcast3A_485 : vector<16xf32>
          %add3A_491 = arith.addf %add3A_455, %bitcast3A_489 : vector<16xf32>
          %add3A_492 = arith.addi %mul3A_221, %and3A_356 : vector<16xi32>
          %gather3A_493 = tpu.vector_load_idx %arg5[%add3A_492] : memref<49152xi32, #tpu.memory_space<vmem>>[vector<16xi32>], vector<16xi32>,
          %shift_left3A_494 = arith.constant 16 : i32
          %shift_left3A_495 = vector.broadcast %shift_left3A_494 : i32 to vector<16xi32>
          %shift_left3A_496 = arith.shli %gather3A_493, %shift_left3A_495 : vector<16xi32>
          %bitcast3A_497 = vector.bitcast %shift_left3A_496 : vector<16xi32> to vector<16xf32>
          %and3A_498 = arith.constant -65536 : i32
          %and3A_499 = vector.broadcast %and3A_498 : i32 to vector<16xi32>
          %and3A_500 = arith.andi %gather3A_493, %and3A_499 : vector<16xi32>
          %bitcast3A_501 = vector.bitcast %and3A_500 : vector<16xi32> to vector<16xf32>
          %add3A_502 = arith.addf %add3A_466, %bitcast3A_497 : vector<16xf32>
          %add3A_503 = arith.addf %add3A_467, %bitcast3A_501 : vector<16xf32>
          %add3A_504 = arith.addi %mul3A_237, %and3A_356 : vector<16xi32>
          %gather3A_505 = tpu.vector_load_idx %arg5[%add3A_504] : memref<49152xi32, #tpu.memory_space<vmem>>[vector<16xi32>], vector<16xi32>,
          %shift_left3A_506 = arith.constant 16 : i32
          %shift_left3A_507 = vector.broadcast %shift_left3A_506 : i32 to vector<16xi32>
          %shift_left3A_508 = arith.shli %gather3A_505, %shift_left3A_507 : vector<16xi32>
          %bitcast3A_509 = vector.bitcast %shift_left3A_508 : vector<16xi32> to vector<16xf32>
          %and3A_510 = arith.constant -65536 : i32
          %and3A_511 = vector.broadcast %and3A_510 : i32 to vector<16xi32>
          %and3A_512 = arith.andi %gather3A_505, %and3A_511 : vector<16xi32>
          %bitcast3A_513 = vector.bitcast %and3A_512 : vector<16xi32> to vector<16xf32>
          %add3A_514 = arith.addf %add3A_478, %bitcast3A_509 : vector<16xf32>
          %add3A_515 = arith.addf %add3A_479, %bitcast3A_513 : vector<16xf32>
          %add3A_516 = arith.addi %mul3A_251, %and3A_356 : vector<16xi32>
          %gather3A_517 = tpu.vector_load_idx %arg5[%add3A_516] : memref<49152xi32, #tpu.memory_space<vmem>>[vector<16xi32>], vector<16xi32>,
          %shift_left3A_518 = arith.constant 16 : i32
          %shift_left3A_519 = vector.broadcast %shift_left3A_518 : i32 to vector<16xi32>
          %shift_left3A_520 = arith.shli %gather3A_517, %shift_left3A_519 : vector<16xi32>
          %bitcast3A_521 = vector.bitcast %shift_left3A_520 : vector<16xi32> to vector<16xf32>
          %and3A_522 = arith.constant -65536 : i32
          %and3A_523 = vector.broadcast %and3A_522 : i32 to vector<16xi32>
          %and3A_524 = arith.andi %gather3A_517, %and3A_523 : vector<16xi32>
          %bitcast3A_525 = vector.bitcast %and3A_524 : vector<16xi32> to vector<16xf32>
          %add3A_526 = arith.addf %add3A_490, %bitcast3A_521 : vector<16xf32>
          %add3A_527 = arith.addf %add3A_491, %bitcast3A_525 : vector<16xf32>
          %add3A_528 = arith.addi %mul3A_267, %and3A_356 : vector<16xi32>
          %gather3A_529 = tpu.vector_load_idx %arg5[%add3A_528] : memref<49152xi32, #tpu.memory_space<vmem>>[vector<16xi32>], vector<16xi32>,
          %shift_left3A_530 = arith.constant 16 : i32
          %shift_left3A_531 = vector.broadcast %shift_left3A_530 : i32 to vector<16xi32>
          %shift_left3A_532 = arith.shli %gather3A_529, %shift_left3A_531 : vector<16xi32>
          %bitcast3A_533 = vector.bitcast %shift_left3A_532 : vector<16xi32> to vector<16xf32>
          %and3A_534 = arith.constant -65536 : i32
          %and3A_535 = vector.broadcast %and3A_534 : i32 to vector<16xi32>
          %and3A_536 = arith.andi %gather3A_529, %and3A_535 : vector<16xi32>
          %bitcast3A_537 = vector.bitcast %and3A_536 : vector<16xi32> to vector<16xf32>
          %add3A_538 = arith.addf %add3A_502, %bitcast3A_533 : vector<16xf32>
          %add3A_539 = arith.addf %add3A_503, %bitcast3A_537 : vector<16xf32>
          %add3A_540 = arith.addi %mul3A_281, %and3A_356 : vector<16xi32>
          %gather3A_541 = tpu.vector_load_idx %arg5[%add3A_540] : memref<49152xi32, #tpu.memory_space<vmem>>[vector<16xi32>], vector<16xi32>,
          %shift_left3A_542 = arith.constant 16 : i32
          %shift_left3A_543 = vector.broadcast %shift_left3A_542 : i32 to vector<16xi32>
          %shift_left3A_544 = arith.shli %gather3A_541, %shift_left3A_543 : vector<16xi32>
          %bitcast3A_545 = vector.bitcast %shift_left3A_544 : vector<16xi32> to vector<16xf32>
          %and3A_546 = arith.constant -65536 : i32
          %and3A_547 = vector.broadcast %and3A_546 : i32 to vector<16xi32>
          %and3A_548 = arith.andi %gather3A_541, %and3A_547 : vector<16xi32>
          %bitcast3A_549 = vector.bitcast %and3A_548 : vector<16xi32> to vector<16xf32>
          %add3A_550 = arith.addf %add3A_514, %bitcast3A_545 : vector<16xf32>
          %add3A_551 = arith.addf %add3A_515, %bitcast3A_549 : vector<16xf32>
          %add3A_552 = arith.addi %mul3A_297, %and3A_356 : vector<16xi32>
          %gather3A_553 = tpu.vector_load_idx %arg5[%add3A_552] : memref<49152xi32, #tpu.memory_space<vmem>>[vector<16xi32>], vector<16xi32>,
          %shift_left3A_554 = arith.constant 16 : i32
          %shift_left3A_555 = vector.broadcast %shift_left3A_554 : i32 to vector<16xi32>
          %shift_left3A_556 = arith.shli %gather3A_553, %shift_left3A_555 : vector<16xi32>
          %bitcast3A_557 = vector.bitcast %shift_left3A_556 : vector<16xi32> to vector<16xf32>
          %and3A_558 = arith.constant -65536 : i32
          %and3A_559 = vector.broadcast %and3A_558 : i32 to vector<16xi32>
          %and3A_560 = arith.andi %gather3A_553, %and3A_559 : vector<16xi32>
          %bitcast3A_561 = vector.bitcast %and3A_560 : vector<16xi32> to vector<16xf32>
          %add3A_562 = arith.addf %add3A_526, %bitcast3A_557 : vector<16xf32>
          %add3A_563 = arith.addf %add3A_527, %bitcast3A_561 : vector<16xf32>
          %add3A_564 = arith.addi %mul3A_311, %and3A_356 : vector<16xi32>
          %gather3A_565 = tpu.vector_load_idx %arg5[%add3A_564] : memref<49152xi32, #tpu.memory_space<vmem>>[vector<16xi32>], vector<16xi32>,
          %shift_left3A_566 = arith.constant 16 : i32
          %shift_left3A_567 = vector.broadcast %shift_left3A_566 : i32 to vector<16xi32>
          %shift_left3A_568 = arith.shli %gather3A_565, %shift_left3A_567 : vector<16xi32>
          %bitcast3A_569 = vector.bitcast %shift_left3A_568 : vector<16xi32> to vector<16xf32>
          %and3A_570 = arith.constant -65536 : i32
          %and3A_571 = vector.broadcast %and3A_570 : i32 to vector<16xi32>
          %and3A_572 = arith.andi %gather3A_565, %and3A_571 : vector<16xi32>
          %bitcast3A_573 = vector.bitcast %and3A_572 : vector<16xi32> to vector<16xf32>
          %add3A_574 = arith.addf %add3A_538, %bitcast3A_569 : vector<16xf32>
          %add3A_575 = arith.addf %add3A_539, %bitcast3A_573 : vector<16xf32>
          %add3A_576 = arith.addi %mul3A_327, %and3A_356 : vector<16xi32>
          %gather3A_577 = tpu.vector_load_idx %arg5[%add3A_576] : memref<49152xi32, #tpu.memory_space<vmem>>[vector<16xi32>], vector<16xi32>,
          %shift_left3A_578 = arith.constant 16 : i32
          %shift_left3A_579 = vector.broadcast %shift_left3A_578 : i32 to vector<16xi32>
          %shift_left3A_580 = arith.shli %gather3A_577, %shift_left3A_579 : vector<16xi32>
          %bitcast3A_581 = vector.bitcast %shift_left3A_580 : vector<16xi32> to vector<16xf32>
          %and3A_582 = arith.constant -65536 : i32
          %and3A_583 = vector.broadcast %and3A_582 : i32 to vector<16xi32>
          %and3A_584 = arith.andi %gather3A_577, %and3A_583 : vector<16xi32>
          %bitcast3A_585 = vector.bitcast %and3A_584 : vector<16xi32> to vector<16xf32>
          %add3A_586 = arith.addf %add3A_550, %bitcast3A_581 : vector<16xf32>
          %add3A_587 = arith.addf %add3A_551, %bitcast3A_585 : vector<16xf32>
          %add3A_588 = arith.addi %mul3A_337, %and3A_356 : vector<16xi32>
          %gather3A_589 = tpu.vector_load_idx %arg5[%add3A_588] : memref<49152xi32, #tpu.memory_space<vmem>>[vector<16xi32>], vector<16xi32>,
          %shift_left3A_590 = arith.constant 16 : i32
          %shift_left3A_591 = vector.broadcast %shift_left3A_590 : i32 to vector<16xi32>
          %shift_left3A_592 = arith.shli %gather3A_589, %shift_left3A_591 : vector<16xi32>
          %bitcast3A_593 = vector.bitcast %shift_left3A_592 : vector<16xi32> to vector<16xf32>
          %and3A_594 = arith.constant -65536 : i32
          %and3A_595 = vector.broadcast %and3A_594 : i32 to vector<16xi32>
          %and3A_596 = arith.andi %gather3A_589, %and3A_595 : vector<16xi32>
          %bitcast3A_597 = vector.bitcast %and3A_596 : vector<16xi32> to vector<16xf32>
          %add3A_598 = arith.addf %add3A_562, %bitcast3A_593 : vector<16xf32>
          %add3A_599 = arith.addf %add3A_563, %bitcast3A_597 : vector<16xf32>
          %mul3A_600 = arith.constant 2 : i32
          %mul3A_601 = vector.broadcast %mul3A_600 : i32 to vector<16xi32>
          %mul3A_602 = arith.muli %and3A_356, %mul3A_601 : vector<16xi32>
          %add3A_603 = arith.addf %add3A_574, %add3A_586 : vector<16xf32>
          %add3A_604 = arith.addf %add3A_603, %add3A_598 : vector<16xf32>
          tpu.vector_store_idx %arg7[%add3A_341, %mul3A_602], %add3A_604 : memref<128x128xf32, #tpu.memory_space<vmem>>[vector<16xi32>, vector<16xi32>], vector<16xf32>,
          %add3A_605 = arith.constant 1 : i32
          %add3A_606 = vector.broadcast %add3A_605 : i32 to vector<16xi32>
          %add3A_607 = arith.addi %mul3A_602, %add3A_606 : vector<16xi32>
          %add3A_608 = arith.addf %add3A_575, %add3A_587 : vector<16xf32>
          %add3A_609 = arith.addf %add3A_608, %add3A_599 : vector<16xf32>
          tpu.vector_store_idx %arg7[%add3A_341, %add3A_607], %add3A_609 : memref<128x128xf32, #tpu.memory_space<vmem>>[vector<16xi32>, vector<16xi32>], vector<16xf32>,
          %scan3A_610 = arith.constant 0 : i32
          scf.yield %scan3A_610 : i32
        }
        %scan3A_348 = arith.constant 64 : i32
        %scan3A_349 = arith.constant 0 : i32
        scf.yield %scan3A_349 : i32
      }
      %scan3A_32 = arith.constant 8 : i32
      %mul3A_33 = arith.constant 256 : i32
      %mul3A_34 = arith.muli %and3A_1, %mul3A_33 : i32
      %mul3A_35 = arith.constant 128 : i32
      %mul3A_36 = arith.muli %and3A_4, %mul3A_35 : i32
      %add3A_37 = arith.addi %mul3A_34, %mul3A_36 : i32
      %multiple_of3A_38 = tpu.assume_multiple %add3A_37, 128 : i32
      "tpu.region"() ({
        %run_scoped3A = tpu.sem_alloc : memref<!tpu.dma_semaphore, #tpu.memory_space<semaphore_mem>>
        %dma_start3A = tpu.memref_slice %arg4[%multiple_of3A_25, %multiple_of3A_38] : memref<16384x1024xf32, #tpu.memory_space<hbm>> -> memref<128x128xf32, #tpu.memory_space<hbm>>
        %dma_start3A_40 = tpu.memref_slice %arg4[%multiple_of3A_25, %multiple_of3A_38] : memref<16384x1024xf32, #tpu.memory_space<hbm>> -> memref<128x128xf32, #tpu.memory_space<hbm>>
        tpu.enqueue_dma source(%arg7 : memref<128x128xf32, #tpu.memory_space<vmem>>) target(%dma_start3A_40 : memref<128x128xf32, #tpu.memory_space<hbm>>) target_semaphore(%run_scoped3A : memref<!tpu.dma_semaphore, #tpu.memory_space<semaphore_mem>>)
        %dma_wait3A = tpu.memref_slice %arg4[%multiple_of3A_25, %multiple_of3A_38] : memref<16384x1024xf32, #tpu.memory_space<hbm>> -> memref<128x128xf32, #tpu.memory_space<hbm>>
        %dma_wait3A_41 = tpu.memref_slice %arg4[%multiple_of3A_25, %multiple_of3A_38] : memref<16384x1024xf32, #tpu.memory_space<hbm>> -> memref<128x128xf32, #tpu.memory_space<hbm>>
        tpu.wait_dma2 semaphore(%run_scoped3A : memref<!tpu.dma_semaphore, #tpu.memory_space<semaphore_mem>>) src(%arg7 : memref<128x128xf32, #tpu.memory_space<vmem>>) dst(%dma_wait3A_41 : memref<128x128xf32, #tpu.memory_space<hbm>>)
        tpu.yield
      }) : () -> ()
      %scan3A_39 = arith.constant 0 : i32
      scf.yield %scan3A_39 : i32
    }
    %scan3A_17 = arith.constant 32 : i32
    return
  }
}

module attributes {stable_mosaic.version = 14 : i64} {
  func.func @_prep_body(%arg0: memref<512x2xi32, #tpu.memory_space<vmem>>, %arg1: memref<512x2xi32, #tpu.memory_space<vmem>>, %arg2: memref<64x2xi32, #tpu.memory_space<vmem>>, %arg3: memref<16x32xf32, #tpu.memory_space<vmem>>, %arg4: memref<128x128xf32, #tpu.memory_space<vmem>>, %arg5: memref<128x8xf32, #tpu.memory_space<vmem>>, %arg6: memref<128x8xf32, #tpu.memory_space<vmem>>, %arg7: memref<32x64xf32, #tpu.memory_space<vmem>>, %arg8: memref<256x64xf32, #tpu.memory_space<vmem>>, %arg9: memref<128x128xf32, #tpu.memory_space<vmem>>, %arg10: memref<64x128xf32, #tpu.memory_space<vmem>>, %arg11: memref<64x64xf32, #tpu.memory_space<vmem>>, %arg12: memref<64x32xf32, #tpu.memory_space<vmem>>, %arg13: memref<128x192xf32, #tpu.memory_space<vmem>>, %arg14: memref<4x16xf32, #tpu.memory_space<vmem>>, %arg15: memref<4x256x400xf32, #tpu.memory_space<vmem>>, %arg16: memref<4x768x256xf32, #tpu.memory_space<vmem>>) attributes {dimension_semantics = [], scalar_prefetch = 0 : i64, scratch_operands = 0 : i64, tpu.core_type = #tpu.core_type<tc>} {
    %get3A = arith.constant 0 : index
    %get3A_0 = arith.constant 0 : index
    %get3A_1 = vector.load %arg7[%get3A, %get3A_0] : memref<32x64xf32, #tpu.memory_space<vmem>>, vector<32x64xf32>
    %get3A_2 = arith.constant 0 : index
    %get3A_3 = arith.constant 0 : index
    %get3A_4 = vector.load %arg8[%get3A_2, %get3A_3] : memref<256x64xf32, #tpu.memory_space<vmem>>, vector<256x64xf32>
    %get3A_5 = arith.constant 0 : index
    %get3A_6 = arith.constant 0 : index
    %get3A_7 = vector.load %arg9[%get3A_5, %get3A_6] : memref<128x128xf32, #tpu.memory_space<vmem>>, vector<128x128xf32>
    %get3A_8 = arith.constant 0 : index
    %get3A_9 = arith.constant 0 : index
    %get3A_10 = vector.load %arg10[%get3A_8, %get3A_9] : memref<64x128xf32, #tpu.memory_space<vmem>>, vector<64x128xf32>
    %iota3A = tpu.iota {dimensions = array<i32: 0>} : vector<32x512xi32>
    %iota3A_11 = tpu.iota {dimensions = array<i32: 1>} : vector<32x512xi32>
    %shift_right_arithmetic3A = arith.constant 4 : i32
    %shift_right_arithmetic3A_12 = vector.broadcast %shift_right_arithmetic3A : i32 to vector<32x512xi32>
    %shift_right_arithmetic3A_13 = arith.shrsi %iota3A_11, %shift_right_arithmetic3A_12 : vector<32x512xi32>
    %eq3A = arith.cmpi eq, %iota3A, %shift_right_arithmetic3A_13 : vector<32x512xi32>
    %convert_element_type3A = arith.extui %eq3A : vector<32x512xi1> to vector<32x512xi32>
    %convert_element_type3A_14 = arith.sitofp %convert_element_type3A : vector<32x512xi32> to vector<32x512xf32>
    %mul3A = arith.constant 6.250000e-02 : f32
    %mul3A_15 = vector.broadcast %mul3A : f32 to vector<32x512xf32>
    %mul3A_16 = arith.mulf %convert_element_type3A_14, %mul3A_15 : vector<32x512xf32>
    %get3A_17 = arith.constant 0 : index
    %get3A_18 = arith.constant 0 : index
    %get3A_19 = vector.load %arg0[%get3A_17, %get3A_18] : memref<512x2xi32, #tpu.memory_space<vmem>>, vector<512x1xi32>
    %get3A_20 = vector.shape_cast %get3A_19 : vector<512x1xi32> to vector<512xi32>
    %get3A_21 = arith.constant 0 : index
    %get3A_22 = arith.constant 1 : index
    %get3A_23 = vector.load %arg0[%get3A_21, %get3A_22] : memref<512x2xi32, #tpu.memory_space<vmem>>, vector<512x1xi32>
    %get3A_24 = vector.shape_cast %get3A_23 : vector<512x1xi32> to vector<512xi32>
    %iota3A_25 = tpu.iota {dimensions = array<i32: 1>} : vector<512x32xi32>
    %broadcast_in_dim3A = vector.shape_cast %get3A_20 : vector<512xi32> to vector<512x1xi32>
    %eq3A_26 = vector.broadcast %broadcast_in_dim3A : vector<512x1xi32> to vector<512x32xi32>
    %eq3A_27 = arith.cmpi eq, %eq3A_26, %iota3A_25 : vector<512x32xi32>
    %convert_element_type3A_28 = arith.extui %eq3A_27 : vector<512x32xi1> to vector<512x32xi32>
    %convert_element_type3A_29 = arith.sitofp %convert_element_type3A_28 : vector<512x32xi32> to vector<512x32xf32>
    %dot_general3A = arith.constant dense<0.000000e+00> : vector<512x64xf32>
    %dot_general3A_30 = tpu.matmul %convert_element_type3A_29, %get3A_1, %dot_general3A {dimension_numbers = #tpu.dot_dimension_numbers<[1], [0], [0], [1], [0, 0, 1, 1], [], []>, transpose_lhs_hint = false} : vector<512x32xf32>, vector<32x64xf32>, vector<512x64xf32> -> vector<512x64xf32>
    %iota3A_31 = tpu.iota {dimensions = array<i32: 1>} : vector<512x256xi32>
    %broadcast_in_dim3A_32 = vector.shape_cast %get3A_24 : vector<512xi32> to vector<512x1xi32>
    %eq3A_33 = vector.broadcast %broadcast_in_dim3A_32 : vector<512x1xi32> to vector<512x256xi32>
    %eq3A_34 = arith.cmpi eq, %eq3A_33, %iota3A_31 : vector<512x256xi32>
    %convert_element_type3A_35 = arith.extui %eq3A_34 : vector<512x256xi1> to vector<512x256xi32>
    %convert_element_type3A_36 = arith.sitofp %convert_element_type3A_35 : vector<512x256xi32> to vector<512x256xf32>
    %dot_general3A_37 = arith.constant dense<0.000000e+00> : vector<512x64xf32>
    %dot_general3A_38 = tpu.matmul %convert_element_type3A_36, %get3A_4, %dot_general3A_37 {dimension_numbers = #tpu.dot_dimension_numbers<[1], [0], [0], [1], [0, 0, 1, 1], [], []>, transpose_lhs_hint = false} : vector<512x256xf32>, vector<256x64xf32>, vector<512x64xf32> -> vector<512x64xf32>
    %concatenate3A = tpu.concatenate %dot_general3A_30, %dot_general3A_38 in 1 : vector<512x64xf32>, vector<512x64xf32> -> vector<512x128xf32>
    %dot_general3A_39 = arith.constant dense<0.000000e+00> : vector<512x128xf32>
    %dot_general3A_40 = tpu.matmul %concatenate3A, %get3A_7, %dot_general3A_39 {dimension_numbers = #tpu.dot_dimension_numbers<[1], [1], [0], [0], [0, 0, 1, 0], [], []>, transpose_lhs_hint = false} : vector<512x128xf32>, vector<128x128xf32>, vector<512x128xf32> -> vector<512x128xf32>
    %dot_general3A_41 = arith.constant dense<0.000000e+00> : vector<32x128xf32>
    %dot_general3A_42 = tpu.matmul %mul3A_16, %dot_general3A_40, %dot_general3A_41 {dimension_numbers = #tpu.dot_dimension_numbers<[1], [0], [0], [1], [0, 0, 1, 1], [], []>, transpose_lhs_hint = false} : vector<32x512xf32>, vector<512x128xf32>, vector<32x128xf32> -> vector<32x128xf32>
    %dot_general3A_43 = arith.constant dense<0.000000e+00> : vector<32x64xf32>
    %dot_general3A_44 = tpu.matmul %dot_general3A_42, %get3A_10, %dot_general3A_43 {dimension_numbers = #tpu.dot_dimension_numbers<[1], [1], [0], [0], [0, 0, 1, 0], [], []>, transpose_lhs_hint = false} : vector<32x128xf32>, vector<64x128xf32>, vector<32x64xf32> -> vector<32x64xf32>
    %get3A_45 = arith.constant 0 : index
    %get3A_46 = arith.constant 0 : index
    %get3A_47 = vector.load %arg1[%get3A_45, %get3A_46] : memref<512x2xi32, #tpu.memory_space<vmem>>, vector<512x1xi32>
    %get3A_48 = vector.shape_cast %get3A_47 : vector<512x1xi32> to vector<512xi32>
    %get3A_49 = arith.constant 0 : index
    %get3A_50 = arith.constant 1 : index
    %get3A_51 = vector.load %arg1[%get3A_49, %get3A_50] : memref<512x2xi32, #tpu.memory_space<vmem>>, vector<512x1xi32>
    %get3A_52 = vector.shape_cast %get3A_51 : vector<512x1xi32> to vector<512xi32>
    %eq3A_53 = arith.constant 10 : i32
    %eq3A_54 = vector.broadcast %eq3A_53 : i32 to vector<512xi32>
    %eq3A_55 = arith.cmpi eq, %get3A_48, %eq3A_54 : vector<512xi32>
    %broadcast_in_dim3A_56 = vector.shape_cast %eq3A_55 : vector<512xi1> to vector<512x1xi1>
    %and3A = arith.constant 31 : i32
    %and3A_57 = vector.broadcast %and3A : i32 to vector<512xi32>
    %and3A_58 = arith.andi %get3A_52, %and3A_57 : vector<512xi32>
    %iota3A_59 = tpu.iota {dimensions = array<i32: 1>} : vector<512x32xi32>
    %broadcast_in_dim3A_60 = vector.shape_cast %and3A_58 : vector<512xi32> to vector<512x1xi32>
    %eq3A_61 = vector.broadcast %broadcast_in_dim3A_60 : vector<512x1xi32> to vector<512x32xi32>
    %eq3A_62 = arith.cmpi eq, %eq3A_61, %iota3A_59 : vector<512x32xi32>
    %convert_element_type3A_63 = arith.extui %eq3A_62 : vector<512x32xi1> to vector<512x32xi32>
    %convert_element_type3A_64 = arith.sitofp %convert_element_type3A_63 : vector<512x32xi32> to vector<512x32xf32>
    %dot_general3A_65 = arith.constant dense<0.000000e+00> : vector<512x64xf32>
    %dot_general3A_66 = tpu.matmul %convert_element_type3A_64, %dot_general3A_44, %dot_general3A_65 {dimension_numbers = #tpu.dot_dimension_numbers<[1], [0], [0], [1], [0, 0, 1, 1], [], []>, transpose_lhs_hint = false} : vector<512x32xf32>, vector<32x64xf32>, vector<512x64xf32> -> vector<512x64xf32>
    %iota3A_67 = tpu.iota {dimensions = array<i32: 1>} : vector<512x256xi32>
    %broadcast_in_dim3A_68 = vector.shape_cast %get3A_52 : vector<512xi32> to vector<512x1xi32>
    %eq3A_69 = vector.broadcast %broadcast_in_dim3A_68 : vector<512x1xi32> to vector<512x256xi32>
    %eq3A_70 = arith.cmpi eq, %eq3A_69, %iota3A_67 : vector<512x256xi32>
    %convert_element_type3A_71 = arith.extui %eq3A_70 : vector<512x256xi1> to vector<512x256xi32>
    %convert_element_type3A_72 = arith.sitofp %convert_element_type3A_71 : vector<512x256xi32> to vector<512x256xf32>
    %dot_general3A_73 = arith.constant dense<0.000000e+00> : vector<512x64xf32>
    %dot_general3A_74 = tpu.matmul %convert_element_type3A_72, %get3A_4, %dot_general3A_73 {dimension_numbers = #tpu.dot_dimension_numbers<[1], [0], [0], [1], [0, 0, 1, 1], [], []>, transpose_lhs_hint = false} : vector<512x256xf32>, vector<256x64xf32>, vector<512x64xf32> -> vector<512x64xf32>
    %broadcast_in_dim3A_75 = vector.shape_cast %broadcast_in_dim3A_56 : vector<512x1xi1> to vector<512x1xi1>
    %broadcast_in_dim3A_76 = vector.broadcast %broadcast_in_dim3A_75 : vector<512x1xi1> to vector<512x64xi1>
    %select_n3A = arith.select %broadcast_in_dim3A_76, %dot_general3A_66, %dot_general3A_74 : vector<512x64xi1>, vector<512x64xf32>
    %iota3A_77 = tpu.iota {dimensions = array<i32: 1>} : vector<512x32xi32>
    %broadcast_in_dim3A_78 = vector.shape_cast %get3A_48 : vector<512xi32> to vector<512x1xi32>
    %eq3A_79 = vector.broadcast %broadcast_in_dim3A_78 : vector<512x1xi32> to vector<512x32xi32>
    %eq3A_80 = arith.cmpi eq, %eq3A_79, %iota3A_77 : vector<512x32xi32>
    %convert_element_type3A_81 = arith.extui %eq3A_80 : vector<512x32xi1> to vector<512x32xi32>
    %convert_element_type3A_82 = arith.sitofp %convert_element_type3A_81 : vector<512x32xi32> to vector<512x32xf32>
    %dot_general3A_83 = arith.constant dense<0.000000e+00> : vector<512x64xf32>
    %dot_general3A_84 = tpu.matmul %convert_element_type3A_82, %get3A_1, %dot_general3A_83 {dimension_numbers = #tpu.dot_dimension_numbers<[1], [0], [0], [1], [0, 0, 1, 1], [], []>, transpose_lhs_hint = false} : vector<512x32xf32>, vector<32x64xf32>, vector<512x64xf32> -> vector<512x64xf32>
    %concatenate3A_85 = tpu.concatenate %dot_general3A_84, %select_n3A in 1 : vector<512x64xf32>, vector<512x64xf32> -> vector<512x128xf32>
    %dot_general3A_86 = arith.constant dense<0.000000e+00> : vector<512x128xf32>
    %dot_general3A_87 = tpu.matmul %concatenate3A_85, %get3A_7, %dot_general3A_86 {dimension_numbers = #tpu.dot_dimension_numbers<[1], [1], [0], [0], [0, 0, 1, 0], [], []>, transpose_lhs_hint = false} : vector<512x128xf32>, vector<128x128xf32>, vector<512x128xf32> -> vector<512x128xf32>
    %dot_general3A_88 = arith.constant dense<0.000000e+00> : vector<32x128xf32>
    %dot_general3A_89 = tpu.matmul %mul3A_16, %dot_general3A_87, %dot_general3A_88 {dimension_numbers = #tpu.dot_dimension_numbers<[1], [0], [0], [1], [0, 0, 1, 1], [], []>, transpose_lhs_hint = false} : vector<32x512xf32>, vector<512x128xf32>, vector<32x128xf32> -> vector<32x128xf32>
    %dot_general3A_90 = arith.constant dense<0.000000e+00> : vector<32x64xf32>
    %dot_general3A_91 = tpu.matmul %dot_general3A_89, %get3A_10, %dot_general3A_90 {dimension_numbers = #tpu.dot_dimension_numbers<[1], [1], [0], [0], [0, 0, 1, 0], [], []>, transpose_lhs_hint = false} : vector<32x128xf32>, vector<64x128xf32>, vector<32x64xf32> -> vector<32x64xf32>
    %get3A_92 = arith.constant 0 : index
    %get3A_93 = arith.constant 0 : index
    %get3A_94 = vector.load %arg4[%get3A_92, %get3A_93] : memref<128x128xf32, #tpu.memory_space<vmem>>, vector<128x128xf32>
    %get3A_95 = arith.constant 0 : index
    %get3A_96 = arith.constant 0 : index
    %get3A_97 = vector.load %arg6[%get3A_95, %get3A_96] : memref<128x8xf32, #tpu.memory_space<vmem>>, vector<128x8xf32>
    %get3A_98 = arith.constant 0 : index
    %get3A_99 = arith.constant 0 : index
    %get3A_100 = vector.load %arg5[%get3A_98, %get3A_99] : memref<128x8xf32, #tpu.memory_space<vmem>>, vector<128x8xf32>
    %dot_general3A_101 = arith.constant dense<0.000000e+00> : vector<128x128xf32>
    %dot_general3A_102 = tpu.matmul %get3A_97, %get3A_100, %dot_general3A_101 {dimension_numbers = #tpu.dot_dimension_numbers<[1], [1], [0], [0], [0, 0, 1, 0], [], []>, transpose_lhs_hint = false} : vector<128x8xf32>, vector<128x8xf32>, vector<128x128xf32> -> vector<128x128xf32>
    %add3A = arith.addf %get3A_94, %dot_general3A_102 : vector<128x128xf32>
    %get3A_103 = arith.constant 0 : index
    %get3A_104 = arith.constant 0 : index
    %get3A_105 = vector.load %arg2[%get3A_103, %get3A_104] : memref<64x2xi32, #tpu.memory_space<vmem>>, vector<64x1xi32>
    %get3A_106 = vector.shape_cast %get3A_105 : vector<64x1xi32> to vector<64xi32>
    %get3A_107 = arith.constant 0 : index
    %get3A_108 = arith.constant 1 : index
    %get3A_109 = vector.load %arg2[%get3A_107, %get3A_108] : memref<64x2xi32, #tpu.memory_space<vmem>>, vector<64x1xi32>
    %get3A_110 = vector.shape_cast %get3A_109 : vector<64x1xi32> to vector<64xi32>
    %iota3A_111 = tpu.iota {dimensions = array<i32: 1>} : vector<64x16xi32>
    %broadcast_in_dim3A_112 = vector.shape_cast %get3A_110 : vector<64xi32> to vector<64x1xi32>
    %eq3A_113 = vector.broadcast %broadcast_in_dim3A_112 : vector<64x1xi32> to vector<64x16xi32>
    %eq3A_114 = arith.cmpi eq, %eq3A_113, %iota3A_111 : vector<64x16xi32>
    %convert_element_type3A_115 = arith.extui %eq3A_114 : vector<64x16xi1> to vector<64x16xi32>
    %convert_element_type3A_116 = arith.sitofp %convert_element_type3A_115 : vector<64x16xi32> to vector<64x16xf32>
    %get3A_117 = arith.constant 0 : index
    %get3A_118 = arith.constant 0 : index
    %get3A_119 = vector.load %arg3[%get3A_117, %get3A_118] : memref<16x32xf32, #tpu.memory_space<vmem>>, vector<16x32xf32>
    %dot_general3A_120 = arith.constant dense<0.000000e+00> : vector<64x32xf32>
    %dot_general3A_121 = tpu.matmul %convert_element_type3A_116, %get3A_119, %dot_general3A_120 {dimension_numbers = #tpu.dot_dimension_numbers<[1], [0], [0], [1], [0, 0, 1, 1], [], []>, transpose_lhs_hint = false} : vector<64x16xf32>, vector<16x32xf32>, vector<64x32xf32> -> vector<64x32xf32>
    %get3A_122 = arith.constant 0 : index
    %get3A_123 = arith.constant 0 : index
    %get3A_124 = vector.load %arg12[%get3A_122, %get3A_123] : memref<64x32xf32, #tpu.memory_space<vmem>>, vector<64x32xf32>
    %dot_general3A_125 = arith.constant dense<0.000000e+00> : vector<64x64xf32>
    %dot_general3A_126 = tpu.matmul %dot_general3A_121, %get3A_124, %dot_general3A_125 {dimension_numbers = #tpu.dot_dimension_numbers<[1], [1], [0], [0], [0, 0, 1, 0], [], []>, transpose_lhs_hint = false} : vector<64x32xf32>, vector<64x32xf32>, vector<64x64xf32> -> vector<64x64xf32>
    %get3A_127 = arith.constant 0 : index
    %get3A_128 = arith.constant 0 : index
    %get3A_129 = vector.load %arg11[%get3A_127, %get3A_128] : memref<64x64xf32, #tpu.memory_space<vmem>>, vector<64x64xf32>
    %iota3A_130 = tpu.iota {dimensions = array<i32: 1>} : vector<64x32xi32>
    %broadcast_in_dim3A_131 = vector.shape_cast %get3A_106 : vector<64xi32> to vector<64x1xi32>
    %eq3A_132 = vector.broadcast %broadcast_in_dim3A_131 : vector<64x1xi32> to vector<64x32xi32>
    %eq3A_133 = arith.cmpi eq, %eq3A_132, %iota3A_130 : vector<64x32xi32>
    %convert_element_type3A_134 = arith.extui %eq3A_133 : vector<64x32xi1> to vector<64x32xi32>
    %convert_element_type3A_135 = arith.sitofp %convert_element_type3A_134 : vector<64x32xi32> to vector<64x32xf32>
    %dot_general3A_136 = arith.constant dense<0.000000e+00> : vector<64x64xf32>
    %dot_general3A_137 = tpu.matmul %convert_element_type3A_135, %dot_general3A_91, %dot_general3A_136 {dimension_numbers = #tpu.dot_dimension_numbers<[1], [0], [0], [1], [0, 0, 1, 1], [], []>, transpose_lhs_hint = false} : vector<64x32xf32>, vector<32x64xf32>, vector<64x64xf32> -> vector<64x64xf32>
    %concatenate3A_138 = tpu.concatenate %get3A_129, %dot_general3A_137, %dot_general3A_126 in 1 : vector<64x64xf32>, vector<64x64xf32>, vector<64x64xf32> -> vector<64x192xf32>
    %get3A_139 = arith.constant 0 : index
    %get3A_140 = arith.constant 0 : index
    %get3A_141 = vector.load %arg13[%get3A_139, %get3A_140] : memref<128x192xf32, #tpu.memory_space<vmem>>, vector<128x192xf32>
    %dot_general3A_142 = arith.constant dense<0.000000e+00> : vector<64x128xf32>
    %dot_general3A_143 = tpu.matmul %concatenate3A_138, %get3A_141, %dot_general3A_142 {dimension_numbers = #tpu.dot_dimension_numbers<[1], [1], [0], [0], [0, 0, 1, 0], [], []>, transpose_lhs_hint = false} : vector<64x192xf32>, vector<128x192xf32>, vector<64x128xf32> -> vector<64x128xf32>
    %slice3A = vector.extract_strided_slice %get3A_7 {offsets = [0, 0], sizes = [128, 64], strides = [1, 1]} : vector<128x128xf32> to vector<128x64xf32>
    %slice3A_144 = vector.extract_strided_slice %get3A_7 {offsets = [0, 64], sizes = [128, 64], strides = [1, 1]} : vector<128x128xf32> to vector<128x64xf32>
    %dot_general3A_145 = arith.constant dense<0.000000e+00> : vector<32x128xf32>
    %dot_general3A_146 = tpu.matmul %get3A_1, %slice3A, %dot_general3A_145 {dimension_numbers = #tpu.dot_dimension_numbers<[1], [1], [0], [0], [0, 0, 1, 0], [], []>, transpose_lhs_hint = false} : vector<32x64xf32>, vector<128x64xf32>, vector<32x128xf32> -> vector<32x128xf32>
    %dot_general3A_147 = arith.constant dense<0.000000e+00> : vector<256x128xf32>
    %dot_general3A_148 = tpu.matmul %get3A_4, %slice3A_144, %dot_general3A_147 {dimension_numbers = #tpu.dot_dimension_numbers<[1], [1], [0], [0], [0, 0, 1, 0], [], []>, transpose_lhs_hint = false} : vector<256x64xf32>, vector<128x64xf32>, vector<256x128xf32> -> vector<256x128xf32>
    %dot_general3A_149 = arith.constant dense<0.000000e+00> : vector<32x128xf32>
    %dot_general3A_150 = tpu.matmul %dot_general3A_91, %slice3A_144, %dot_general3A_149 {dimension_numbers = #tpu.dot_dimension_numbers<[1], [1], [0], [0], [0, 0, 1, 0], [], []>, transpose_lhs_hint = false} : vector<32x64xf32>, vector<128x64xf32>, vector<32x128xf32> -> vector<32x128xf32>
    %iota3A_151 = tpu.iota {dimensions = array<i32: 0>} : vector<256x1xi32>
    %convert_element_type3A_152 = arith.sitofp %iota3A_151 : vector<256x1xi32> to vector<256x1xf32>
    %mul3A_153 = arith.constant 0.00392156886 : f32
    %mul3A_154 = vector.broadcast %mul3A_153 : f32 to vector<256x1xf32>
    %mul3A_155 = arith.mulf %convert_element_type3A_152, %mul3A_154 : vector<256x1xf32>
    %get3A_156 = arith.constant 0 : index
    %get3A_157 = arith.constant 0 : index
    %get3A_158 = vector.load %arg14[%get3A_156, %get3A_157] : memref<4x16xf32, #tpu.memory_space<vmem>>, vector<1x16xf32>
    %get3A_159 = vector.shape_cast %get3A_158 : vector<1x16xf32> to vector<16xf32>
    %broadcast_in_dim3A_160 = vector.shape_cast %get3A_159 : vector<16xf32> to vector<1x16xf32>
    %get3A_161 = arith.constant 1 : index
    %get3A_162 = arith.constant 0 : index
    %get3A_163 = vector.load %arg14[%get3A_161, %get3A_162] : memref<4x16xf32, #tpu.memory_space<vmem>>, vector<1x16xf32>
    %get3A_164 = vector.shape_cast %get3A_163 : vector<1x16xf32> to vector<16xf32>
    %broadcast_in_dim3A_165 = vector.shape_cast %get3A_164 : vector<16xf32> to vector<1x16xf32>
    %get3A_166 = arith.constant 2 : index
    %get3A_167 = arith.constant 0 : index
    %get3A_168 = vector.load %arg14[%get3A_166, %get3A_167] : memref<4x16xf32, #tpu.memory_space<vmem>>, vector<1x16xf32>
    %get3A_169 = vector.shape_cast %get3A_168 : vector<1x16xf32> to vector<16xf32>
    %broadcast_in_dim3A_170 = vector.shape_cast %get3A_169 : vector<16xf32> to vector<1x16xf32>
    %get3A_171 = arith.constant 3 : index
    %get3A_172 = arith.constant 0 : index
    %get3A_173 = vector.load %arg14[%get3A_171, %get3A_172] : memref<4x16xf32, #tpu.memory_space<vmem>>, vector<1x16xf32>
    %get3A_174 = vector.shape_cast %get3A_173 : vector<1x16xf32> to vector<16xf32>
    %broadcast_in_dim3A_175 = vector.shape_cast %get3A_174 : vector<16xf32> to vector<1x16xf32>
    %mul3A_176 = vector.broadcast %mul3A_155 : vector<256x1xf32> to vector<256x16xf32>
    %mul3A_177 = vector.broadcast %broadcast_in_dim3A_170 : vector<1x16xf32> to vector<256x16xf32>
    %mul3A_178 = arith.mulf %mul3A_176, %mul3A_177 : vector<256x16xf32>
    %add3A_179 = vector.broadcast %broadcast_in_dim3A_175 : vector<1x16xf32> to vector<256x16xf32>
    %add3A_180 = arith.addf %mul3A_178, %add3A_179 : vector<256x16xf32>
    %mul3A_181 = vector.broadcast %mul3A_155 : vector<256x1xf32> to vector<256x16xf32>
    %mul3A_182 = vector.broadcast %broadcast_in_dim3A_160 : vector<1x16xf32> to vector<256x16xf32>
    %mul3A_183 = arith.mulf %mul3A_181, %mul3A_182 : vector<256x16xf32>
    %add3A_184 = vector.broadcast %broadcast_in_dim3A_165 : vector<1x16xf32> to vector<256x16xf32>
    %add3A_185 = arith.addf %mul3A_183, %add3A_184 : vector<256x16xf32>
    %neg3A = arith.constant 0.000000e+00 : f32
    %neg3A_186 = vector.broadcast %neg3A : f32 to vector<256x16xf32>
    %neg3A_187 = arith.subf %neg3A_186, %add3A_180 : vector<256x16xf32>
    %exp3A = math.exp %neg3A_187 : vector<256x16xf32>
    %add3A_188 = arith.constant 1.000000e+00 : f32
    %add3A_189 = vector.broadcast %add3A_188 : f32 to vector<256x16xf32>
    %add3A_190 = arith.addf %add3A_189, %exp3A : vector<256x16xf32>
    %div3A = arith.constant 1.000000e+00 : f32
    %div3A_191 = vector.broadcast %div3A : f32 to vector<256x16xf32>
    %div3A_192 = arith.divf %div3A_191, %add3A_190 : vector<256x16xf32>
    %mul3A_193 = arith.mulf %add3A_185, %div3A_192 : vector<256x16xf32>
    %get3A_194 = arith.constant 0 : index
    %get3A_195 = arith.constant 0 : index
    %get3A_196 = arith.constant 0 : index
    %get3A_197 = vector.load %arg15[%get3A_194, %get3A_195, %get3A_196] : memref<4x256x400xf32, #tpu.memory_space<vmem>>, vector<1x256x400xf32>
    %get3A_198 = vector.shape_cast %get3A_197 : vector<1x256x400xf32> to vector<256x400xf32>
    %slice3A_199 = vector.extract_strided_slice %get3A_198 {offsets = [0, 0], sizes = [256, 128], strides = [1, 1]} : vector<256x400xf32> to vector<256x128xf32>
    %dot_general3A_200 = arith.constant dense<0.000000e+00> : vector<128x256xf32>
    %dot_general3A_201 = tpu.matmul %add3A, %slice3A_199, %dot_general3A_200 {dimension_numbers = #tpu.dot_dimension_numbers<[1], [1], [0], [0], [0, 0, 1, 0], [], []>, transpose_lhs_hint = false} : vector<128x128xf32>, vector<256x128xf32>, vector<128x256xf32> -> vector<128x256xf32>
    %slice3A_202 = vector.extract_strided_slice %get3A_198 {offsets = [0, 128], sizes = [256, 128], strides = [1, 1]} : vector<256x400xf32> to vector<256x128xf32>
    %dot_general3A_203 = arith.constant dense<0.000000e+00> : vector<64x256xf32>
    %dot_general3A_204 = tpu.matmul %dot_general3A_143, %slice3A_202, %dot_general3A_203 {dimension_numbers = #tpu.dot_dimension_numbers<[1], [1], [0], [0], [0, 0, 1, 0], [], []>, transpose_lhs_hint = false} : vector<64x128xf32>, vector<256x128xf32>, vector<64x256xf32> -> vector<64x256xf32>
    %slice3A_205 = vector.extract_strided_slice %get3A_198 {offsets = [0, 256], sizes = [256, 128], strides = [1, 1]} : vector<256x400xf32> to vector<256x128xf32>
    %dot_general3A_206 = arith.constant dense<0.000000e+00> : vector<32x256xf32>
    %dot_general3A_207 = tpu.matmul %dot_general3A_146, %slice3A_205, %dot_general3A_206 {dimension_numbers = #tpu.dot_dimension_numbers<[1], [1], [0], [0], [0, 0, 1, 0], [], []>, transpose_lhs_hint = false} : vector<32x128xf32>, vector<256x128xf32>, vector<32x256xf32> -> vector<32x256xf32>
    %mul3A_208 = arith.constant 0.111111112 : f32
    %mul3A_209 = vector.broadcast %mul3A_208 : f32 to vector<32x256xf32>
    %mul3A_210 = arith.mulf %dot_general3A_207, %mul3A_209 : vector<32x256xf32>
    %slice3A_211 = vector.extract_strided_slice %get3A_198 {offsets = [0, 256], sizes = [256, 128], strides = [1, 1]} : vector<256x400xf32> to vector<256x128xf32>
    %dot_general3A_212 = arith.constant dense<0.000000e+00> : vector<256x256xf32>
    %dot_general3A_213 = tpu.matmul %dot_general3A_148, %slice3A_211, %dot_general3A_212 {dimension_numbers = #tpu.dot_dimension_numbers<[1], [1], [0], [0], [0, 0, 1, 0], [], []>, transpose_lhs_hint = false} : vector<256x128xf32>, vector<256x128xf32>, vector<256x256xf32> -> vector<256x256xf32>
    %mul3A_214 = arith.constant 0.111111112 : f32
    %mul3A_215 = vector.broadcast %mul3A_214 : f32 to vector<256x256xf32>
    %mul3A_216 = arith.mulf %dot_general3A_213, %mul3A_215 : vector<256x256xf32>
    %slice3A_217 = vector.extract_strided_slice %get3A_198 {offsets = [0, 256], sizes = [256, 128], strides = [1, 1]} : vector<256x400xf32> to vector<256x128xf32>
    %dot_general3A_218 = arith.constant dense<0.000000e+00> : vector<32x256xf32>
    %dot_general3A_219 = tpu.matmul %dot_general3A_150, %slice3A_217, %dot_general3A_218 {dimension_numbers = #tpu.dot_dimension_numbers<[1], [1], [0], [0], [0, 0, 1, 0], [], []>, transpose_lhs_hint = false} : vector<32x128xf32>, vector<256x128xf32>, vector<32x256xf32> -> vector<32x256xf32>
    %mul3A_220 = arith.constant 0.111111112 : f32
    %mul3A_221 = vector.broadcast %mul3A_220 : f32 to vector<32x256xf32>
    %mul3A_222 = arith.mulf %dot_general3A_219, %mul3A_221 : vector<32x256xf32>
    %slice3A_223 = vector.extract_strided_slice %get3A_198 {offsets = [0, 384], sizes = [256, 16], strides = [1, 1]} : vector<256x400xf32> to vector<256x16xf32>
    %dot_general3A_224 = arith.constant dense<0.000000e+00> : vector<256x256xf32>
    %dot_general3A_225 = tpu.matmul %mul3A_193, %slice3A_223, %dot_general3A_224 {dimension_numbers = #tpu.dot_dimension_numbers<[1], [1], [0], [0], [0, 0, 1, 0], [], []>, transpose_lhs_hint = false} : vector<256x16xf32>, vector<256x16xf32>, vector<256x256xf32> -> vector<256x256xf32>
    %concatenate3A_226 = tpu.concatenate %dot_general3A_201, %dot_general3A_204, %mul3A_210, %mul3A_216, %mul3A_222, %dot_general3A_225 in 0 : vector<128x256xf32>, vector<64x256xf32>, vector<32x256xf32>, vector<256x256xf32>, vector<32x256xf32>, vector<256x256xf32> -> vector<768x256xf32>
    %swap3A = arith.constant 0 : index
    %swap3A_227 = arith.constant 0 : index
    %swap3A_228 = arith.constant 0 : index
    %swap3A_229 = vector.load %arg16[%swap3A, %swap3A_227, %swap3A_228] : memref<4x768x256xf32, #tpu.memory_space<vmem>>, vector<1x768x256xf32>
    %swap3A_230 = vector.shape_cast %swap3A_229 : vector<1x768x256xf32> to vector<768x256xf32>
    %swap3A_231 = vector.shape_cast %concatenate3A_226 : vector<768x256xf32> to vector<1x768x256xf32>
    tpu.vector_store %arg16[%swap3A, %swap3A_227, %swap3A_228], %swap3A_231 {strides = array<i32>} : memref<4x768x256xf32, #tpu.memory_space<vmem>>, vector<1x768x256xf32>,
    %get3A_232 = arith.constant 1 : index
    %get3A_233 = arith.constant 0 : index
    %get3A_234 = arith.constant 0 : index
    %get3A_235 = vector.load %arg15[%get3A_232, %get3A_233, %get3A_234] : memref<4x256x400xf32, #tpu.memory_space<vmem>>, vector<1x256x400xf32>
    %get3A_236 = vector.shape_cast %get3A_235 : vector<1x256x400xf32> to vector<256x400xf32>
    %slice3A_237 = vector.extract_strided_slice %get3A_236 {offsets = [0, 0], sizes = [256, 128], strides = [1, 1]} : vector<256x400xf32> to vector<256x128xf32>
    %dot_general3A_238 = arith.constant dense<0.000000e+00> : vector<128x256xf32>
    %dot_general3A_239 = tpu.matmul %add3A, %slice3A_237, %dot_general3A_238 {dimension_numbers = #tpu.dot_dimension_numbers<[1], [1], [0], [0], [0, 0, 1, 0], [], []>, transpose_lhs_hint = false} : vector<128x128xf32>, vector<256x128xf32>, vector<128x256xf32> -> vector<128x256xf32>
    %slice3A_240 = vector.extract_strided_slice %get3A_236 {offsets = [0, 128], sizes = [256, 128], strides = [1, 1]} : vector<256x400xf32> to vector<256x128xf32>
    %dot_general3A_241 = arith.constant dense<0.000000e+00> : vector<64x256xf32>
    %dot_general3A_242 = tpu.matmul %dot_general3A_143, %slice3A_240, %dot_general3A_241 {dimension_numbers = #tpu.dot_dimension_numbers<[1], [1], [0], [0], [0, 0, 1, 0], [], []>, transpose_lhs_hint = false} : vector<64x128xf32>, vector<256x128xf32>, vector<64x256xf32> -> vector<64x256xf32>
    %slice3A_243 = vector.extract_strided_slice %get3A_236 {offsets = [0, 256], sizes = [256, 128], strides = [1, 1]} : vector<256x400xf32> to vector<256x128xf32>
    %dot_general3A_244 = arith.constant dense<0.000000e+00> : vector<32x256xf32>
    %dot_general3A_245 = tpu.matmul %dot_general3A_146, %slice3A_243, %dot_general3A_244 {dimension_numbers = #tpu.dot_dimension_numbers<[1], [1], [0], [0], [0, 0, 1, 0], [], []>, transpose_lhs_hint = false} : vector<32x128xf32>, vector<256x128xf32>, vector<32x256xf32> -> vector<32x256xf32>
    %mul3A_246 = arith.constant 0.111111112 : f32
    %mul3A_247 = vector.broadcast %mul3A_246 : f32 to vector<32x256xf32>
    %mul3A_248 = arith.mulf %dot_general3A_245, %mul3A_247 : vector<32x256xf32>
    %slice3A_249 = vector.extract_strided_slice %get3A_236 {offsets = [0, 256], sizes = [256, 128], strides = [1, 1]} : vector<256x400xf32> to vector<256x128xf32>
    %dot_general3A_250 = arith.constant dense<0.000000e+00> : vector<256x256xf32>
    %dot_general3A_251 = tpu.matmul %dot_general3A_148, %slice3A_249, %dot_general3A_250 {dimension_numbers = #tpu.dot_dimension_numbers<[1], [1], [0], [0], [0, 0, 1, 0], [], []>, transpose_lhs_hint = false} : vector<256x128xf32>, vector<256x128xf32>, vector<256x256xf32> -> vector<256x256xf32>
    %mul3A_252 = arith.constant 0.111111112 : f32
    %mul3A_253 = vector.broadcast %mul3A_252 : f32 to vector<256x256xf32>
    %mul3A_254 = arith.mulf %dot_general3A_251, %mul3A_253 : vector<256x256xf32>
    %slice3A_255 = vector.extract_strided_slice %get3A_236 {offsets = [0, 256], sizes = [256, 128], strides = [1, 1]} : vector<256x400xf32> to vector<256x128xf32>
    %dot_general3A_256 = arith.constant dense<0.000000e+00> : vector<32x256xf32>
    %dot_general3A_257 = tpu.matmul %dot_general3A_150, %slice3A_255, %dot_general3A_256 {dimension_numbers = #tpu.dot_dimension_numbers<[1], [1], [0], [0], [0, 0, 1, 0], [], []>, transpose_lhs_hint = false} : vector<32x128xf32>, vector<256x128xf32>, vector<32x256xf32> -> vector<32x256xf32>
    %mul3A_258 = arith.constant 0.111111112 : f32
    %mul3A_259 = vector.broadcast %mul3A_258 : f32 to vector<32x256xf32>
    %mul3A_260 = arith.mulf %dot_general3A_257, %mul3A_259 : vector<32x256xf32>
    %slice3A_261 = vector.extract_strided_slice %get3A_236 {offsets = [0, 384], sizes = [256, 16], strides = [1, 1]} : vector<256x400xf32> to vector<256x16xf32>
    %dot_general3A_262 = arith.constant dense<0.000000e+00> : vector<256x256xf32>
    %dot_general3A_263 = tpu.matmul %mul3A_193, %slice3A_261, %dot_general3A_262 {dimension_numbers = #tpu.dot_dimension_numbers<[1], [1], [0], [0], [0, 0, 1, 0], [], []>, transpose_lhs_hint = false} : vector<256x16xf32>, vector<256x16xf32>, vector<256x256xf32> -> vector<256x256xf32>
    %concatenate3A_264 = tpu.concatenate %dot_general3A_239, %dot_general3A_242, %mul3A_248, %mul3A_254, %mul3A_260, %dot_general3A_263 in 0 : vector<128x256xf32>, vector<64x256xf32>, vector<32x256xf32>, vector<256x256xf32>, vector<32x256xf32>, vector<256x256xf32> -> vector<768x256xf32>
    %swap3A_265 = arith.constant 1 : index
    %swap3A_266 = arith.constant 0 : index
    %swap3A_267 = arith.constant 0 : index
    %swap3A_268 = vector.load %arg16[%swap3A_265, %swap3A_266, %swap3A_267] : memref<4x768x256xf32, #tpu.memory_space<vmem>>, vector<1x768x256xf32>
    %swap3A_269 = vector.shape_cast %swap3A_268 : vector<1x768x256xf32> to vector<768x256xf32>
    %swap3A_270 = vector.shape_cast %concatenate3A_264 : vector<768x256xf32> to vector<1x768x256xf32>
    tpu.vector_store %arg16[%swap3A_265, %swap3A_266, %swap3A_267], %swap3A_270 {strides = array<i32>} : memref<4x768x256xf32, #tpu.memory_space<vmem>>, vector<1x768x256xf32>,
    %get3A_271 = arith.constant 2 : index
    %get3A_272 = arith.constant 0 : index
    %get3A_273 = arith.constant 0 : index
    %get3A_274 = vector.load %arg15[%get3A_271, %get3A_272, %get3A_273] : memref<4x256x400xf32, #tpu.memory_space<vmem>>, vector<1x256x400xf32>
    %get3A_275 = vector.shape_cast %get3A_274 : vector<1x256x400xf32> to vector<256x400xf32>
    %slice3A_276 = vector.extract_strided_slice %get3A_275 {offsets = [0, 0], sizes = [256, 128], strides = [1, 1]} : vector<256x400xf32> to vector<256x128xf32>
    %dot_general3A_277 = arith.constant dense<0.000000e+00> : vector<128x256xf32>
    %dot_general3A_278 = tpu.matmul %add3A, %slice3A_276, %dot_general3A_277 {dimension_numbers = #tpu.dot_dimension_numbers<[1], [1], [0], [0], [0, 0, 1, 0], [], []>, transpose_lhs_hint = false} : vector<128x128xf32>, vector<256x128xf32>, vector<128x256xf32> -> vector<128x256xf32>
    %slice3A_279 = vector.extract_strided_slice %get3A_275 {offsets = [0, 128], sizes = [256, 128], strides = [1, 1]} : vector<256x400xf32> to vector<256x128xf32>
    %dot_general3A_280 = arith.constant dense<0.000000e+00> : vector<64x256xf32>
    %dot_general3A_281 = tpu.matmul %dot_general3A_143, %slice3A_279, %dot_general3A_280 {dimension_numbers = #tpu.dot_dimension_numbers<[1], [1], [0], [0], [0, 0, 1, 0], [], []>, transpose_lhs_hint = false} : vector<64x128xf32>, vector<256x128xf32>, vector<64x256xf32> -> vector<64x256xf32>
    %slice3A_282 = vector.extract_strided_slice %get3A_275 {offsets = [0, 256], sizes = [256, 128], strides = [1, 1]} : vector<256x400xf32> to vector<256x128xf32>
    %dot_general3A_283 = arith.constant dense<0.000000e+00> : vector<32x256xf32>
    %dot_general3A_284 = tpu.matmul %dot_general3A_146, %slice3A_282, %dot_general3A_283 {dimension_numbers = #tpu.dot_dimension_numbers<[1], [1], [0], [0], [0, 0, 1, 0], [], []>, transpose_lhs_hint = false} : vector<32x128xf32>, vector<256x128xf32>, vector<32x256xf32> -> vector<32x256xf32>
    %mul3A_285 = arith.constant 0.111111112 : f32
    %mul3A_286 = vector.broadcast %mul3A_285 : f32 to vector<32x256xf32>
    %mul3A_287 = arith.mulf %dot_general3A_284, %mul3A_286 : vector<32x256xf32>
    %slice3A_288 = vector.extract_strided_slice %get3A_275 {offsets = [0, 256], sizes = [256, 128], strides = [1, 1]} : vector<256x400xf32> to vector<256x128xf32>
    %dot_general3A_289 = arith.constant dense<0.000000e+00> : vector<256x256xf32>
    %dot_general3A_290 = tpu.matmul %dot_general3A_148, %slice3A_288, %dot_general3A_289 {dimension_numbers = #tpu.dot_dimension_numbers<[1], [1], [0], [0], [0, 0, 1, 0], [], []>, transpose_lhs_hint = false} : vector<256x128xf32>, vector<256x128xf32>, vector<256x256xf32> -> vector<256x256xf32>
    %mul3A_291 = arith.constant 0.111111112 : f32
    %mul3A_292 = vector.broadcast %mul3A_291 : f32 to vector<256x256xf32>
    %mul3A_293 = arith.mulf %dot_general3A_290, %mul3A_292 : vector<256x256xf32>
    %slice3A_294 = vector.extract_strided_slice %get3A_275 {offsets = [0, 256], sizes = [256, 128], strides = [1, 1]} : vector<256x400xf32> to vector<256x128xf32>
    %dot_general3A_295 = arith.constant dense<0.000000e+00> : vector<32x256xf32>
    %dot_general3A_296 = tpu.matmul %dot_general3A_150, %slice3A_294, %dot_general3A_295 {dimension_numbers = #tpu.dot_dimension_numbers<[1], [1], [0], [0], [0, 0, 1, 0], [], []>, transpose_lhs_hint = false} : vector<32x128xf32>, vector<256x128xf32>, vector<32x256xf32> -> vector<32x256xf32>
    %mul3A_297 = arith.constant 0.111111112 : f32
    %mul3A_298 = vector.broadcast %mul3A_297 : f32 to vector<32x256xf32>
    %mul3A_299 = arith.mulf %dot_general3A_296, %mul3A_298 : vector<32x256xf32>
    %slice3A_300 = vector.extract_strided_slice %get3A_275 {offsets = [0, 384], sizes = [256, 16], strides = [1, 1]} : vector<256x400xf32> to vector<256x16xf32>
    %dot_general3A_301 = arith.constant dense<0.000000e+00> : vector<256x256xf32>
    %dot_general3A_302 = tpu.matmul %mul3A_193, %slice3A_300, %dot_general3A_301 {dimension_numbers = #tpu.dot_dimension_numbers<[1], [1], [0], [0], [0, 0, 1, 0], [], []>, transpose_lhs_hint = false} : vector<256x16xf32>, vector<256x16xf32>, vector<256x256xf32> -> vector<256x256xf32>
    %concatenate3A_303 = tpu.concatenate %dot_general3A_278, %dot_general3A_281, %mul3A_287, %mul3A_293, %mul3A_299, %dot_general3A_302 in 0 : vector<128x256xf32>, vector<64x256xf32>, vector<32x256xf32>, vector<256x256xf32>, vector<32x256xf32>, vector<256x256xf32> -> vector<768x256xf32>
    %swap3A_304 = arith.constant 2 : index
    %swap3A_305 = arith.constant 0 : index
    %swap3A_306 = arith.constant 0 : index
    %swap3A_307 = vector.load %arg16[%swap3A_304, %swap3A_305, %swap3A_306] : memref<4x768x256xf32, #tpu.memory_space<vmem>>, vector<1x768x256xf32>
    %swap3A_308 = vector.shape_cast %swap3A_307 : vector<1x768x256xf32> to vector<768x256xf32>
    %swap3A_309 = vector.shape_cast %concatenate3A_303 : vector<768x256xf32> to vector<1x768x256xf32>
    tpu.vector_store %arg16[%swap3A_304, %swap3A_305, %swap3A_306], %swap3A_309 {strides = array<i32>} : memref<4x768x256xf32, #tpu.memory_space<vmem>>, vector<1x768x256xf32>,
    %get3A_310 = arith.constant 3 : index
    %get3A_311 = arith.constant 0 : index
    %get3A_312 = arith.constant 0 : index
    %get3A_313 = vector.load %arg15[%get3A_310, %get3A_311, %get3A_312] : memref<4x256x400xf32, #tpu.memory_space<vmem>>, vector<1x256x400xf32>
    %get3A_314 = vector.shape_cast %get3A_313 : vector<1x256x400xf32> to vector<256x400xf32>
    %slice3A_315 = vector.extract_strided_slice %get3A_314 {offsets = [0, 0], sizes = [256, 128], strides = [1, 1]} : vector<256x400xf32> to vector<256x128xf32>
    %dot_general3A_316 = arith.constant dense<0.000000e+00> : vector<128x256xf32>
    %dot_general3A_317 = tpu.matmul %add3A, %slice3A_315, %dot_general3A_316 {dimension_numbers = #tpu.dot_dimension_numbers<[1], [1], [0], [0], [0, 0, 1, 0], [], []>, transpose_lhs_hint = false} : vector<128x128xf32>, vector<256x128xf32>, vector<128x256xf32> -> vector<128x256xf32>
    %slice3A_318 = vector.extract_strided_slice %get3A_314 {offsets = [0, 128], sizes = [256, 128], strides = [1, 1]} : vector<256x400xf32> to vector<256x128xf32>
    %dot_general3A_319 = arith.constant dense<0.000000e+00> : vector<64x256xf32>
    %dot_general3A_320 = tpu.matmul %dot_general3A_143, %slice3A_318, %dot_general3A_319 {dimension_numbers = #tpu.dot_dimension_numbers<[1], [1], [0], [0], [0, 0, 1, 0], [], []>, transpose_lhs_hint = false} : vector<64x128xf32>, vector<256x128xf32>, vector<64x256xf32> -> vector<64x256xf32>
    %slice3A_321 = vector.extract_strided_slice %get3A_314 {offsets = [0, 256], sizes = [256, 128], strides = [1, 1]} : vector<256x400xf32> to vector<256x128xf32>
    %dot_general3A_322 = arith.constant dense<0.000000e+00> : vector<32x256xf32>
    %dot_general3A_323 = tpu.matmul %dot_general3A_146, %slice3A_321, %dot_general3A_322 {dimension_numbers = #tpu.dot_dimension_numbers<[1], [1], [0], [0], [0, 0, 1, 0], [], []>, transpose_lhs_hint = false} : vector<32x128xf32>, vector<256x128xf32>, vector<32x256xf32> -> vector<32x256xf32>
    %mul3A_324 = arith.constant 0.111111112 : f32
    %mul3A_325 = vector.broadcast %mul3A_324 : f32 to vector<32x256xf32>
    %mul3A_326 = arith.mulf %dot_general3A_323, %mul3A_325 : vector<32x256xf32>
    %slice3A_327 = vector.extract_strided_slice %get3A_314 {offsets = [0, 256], sizes = [256, 128], strides = [1, 1]} : vector<256x400xf32> to vector<256x128xf32>
    %dot_general3A_328 = arith.constant dense<0.000000e+00> : vector<256x256xf32>
    %dot_general3A_329 = tpu.matmul %dot_general3A_148, %slice3A_327, %dot_general3A_328 {dimension_numbers = #tpu.dot_dimension_numbers<[1], [1], [0], [0], [0, 0, 1, 0], [], []>, transpose_lhs_hint = false} : vector<256x128xf32>, vector<256x128xf32>, vector<256x256xf32> -> vector<256x256xf32>
    %mul3A_330 = arith.constant 0.111111112 : f32
    %mul3A_331 = vector.broadcast %mul3A_330 : f32 to vector<256x256xf32>
    %mul3A_332 = arith.mulf %dot_general3A_329, %mul3A_331 : vector<256x256xf32>
    %slice3A_333 = vector.extract_strided_slice %get3A_314 {offsets = [0, 256], sizes = [256, 128], strides = [1, 1]} : vector<256x400xf32> to vector<256x128xf32>
    %dot_general3A_334 = arith.constant dense<0.000000e+00> : vector<32x256xf32>
    %dot_general3A_335 = tpu.matmul %dot_general3A_150, %slice3A_333, %dot_general3A_334 {dimension_numbers = #tpu.dot_dimension_numbers<[1], [1], [0], [0], [0, 0, 1, 0], [], []>, transpose_lhs_hint = false} : vector<32x128xf32>, vector<256x128xf32>, vector<32x256xf32> -> vector<32x256xf32>
    %mul3A_336 = arith.constant 0.111111112 : f32
    %mul3A_337 = vector.broadcast %mul3A_336 : f32 to vector<32x256xf32>
    %mul3A_338 = arith.mulf %dot_general3A_335, %mul3A_337 : vector<32x256xf32>
    %slice3A_339 = vector.extract_strided_slice %get3A_314 {offsets = [0, 384], sizes = [256, 16], strides = [1, 1]} : vector<256x400xf32> to vector<256x16xf32>
    %dot_general3A_340 = arith.constant dense<0.000000e+00> : vector<256x256xf32>
    %dot_general3A_341 = tpu.matmul %mul3A_193, %slice3A_339, %dot_general3A_340 {dimension_numbers = #tpu.dot_dimension_numbers<[1], [1], [0], [0], [0, 0, 1, 0], [], []>, transpose_lhs_hint = false} : vector<256x16xf32>, vector<256x16xf32>, vector<256x256xf32> -> vector<256x256xf32>
    %concatenate3A_342 = tpu.concatenate %dot_general3A_317, %dot_general3A_320, %mul3A_326, %mul3A_332, %mul3A_338, %dot_general3A_341 in 0 : vector<128x256xf32>, vector<64x256xf32>, vector<32x256xf32>, vector<256x256xf32>, vector<32x256xf32>, vector<256x256xf32> -> vector<768x256xf32>
    %swap3A_343 = arith.constant 3 : index
    %swap3A_344 = arith.constant 0 : index
    %swap3A_345 = arith.constant 0 : index
    %swap3A_346 = vector.load %arg16[%swap3A_343, %swap3A_344, %swap3A_345] : memref<4x768x256xf32, #tpu.memory_space<vmem>>, vector<1x768x256xf32>
    %swap3A_347 = vector.shape_cast %swap3A_346 : vector<1x768x256xf32> to vector<768x256xf32>
    %swap3A_348 = vector.shape_cast %concatenate3A_342 : vector<768x256xf32> to vector<1x768x256xf32>
    tpu.vector_store %arg16[%swap3A_343, %swap3A_344, %swap3A_345], %swap3A_348 {strides = array<i32>} : memref<4x768x256xf32, #tpu.memory_space<vmem>>, vector<1x768x256xf32>,
    return
  }
}

</mosaic_0001>

<sc_bundles>
// kernel: kernel.4.cloned.1.call-start
scs
__scs_entry_jumppad:
0x0: {  	(pc) =	sbr.rel $0x88, $3  }
0x1: {  	(tag) =	ssettag $0x0;
	lr =	simm.s32 $0x1  }
0x2: {  	[smem:$0x3F8E] =	sst lr;
	_ =	strace $0xD0000000  }
0x3: {  	_ = 	snop  }
0x4: {  	_ = 	snop  }
0x5: {  	_ = 	snop  }
0x6: {  	_ = 	snop  }
0x7: {  	_ = 	snop  }
__scs_overlays_trampoline_lowered:
0x8: {  	[smem:$0x3F9D] =	sst s0  }
0x9: {  	[smem:$0x3F9E] =	sst s1  }
0xa: {  	[smem:$0x3F9F] =	sst s2  }
0xb: {  	[smem:$0x3FA0] =	sst s3  }
0xc: {  	[smem:$0x3FA1] =	sst s4  }
0xd: {  	[smem:$0x3FA2] =	sst s5  }
0xe: {  	[smem:$0x3FA3] =	sst s6  }
0xf: {  	[smem:$0x3FA4] =	sst s7  }
0x10: {  	[smem:$0x3FA5] =	sst s8  }
0x11: {  	[smem:$0x3FA6] =	sst s9;
	s0 =	simm.s32 @!p0 $0x0  }
0x12: {  	s1 =	sld [smem:$0x3F8C];
	s0 =	simm.s32 @p0 $0x1  }
0x13: {  	[smem:$0x3FA7] =	sst s0;
	s0 =	simm.s32 @!p1 $0x0  }
0x14: {  	s2 =	sld [smem:$0x3F8B];
	s0 =	simm.s32 @p1 $0x1  }
0x15: {  	[smem:$0x3FA8] =	sst s0;
	s0 =	simm.s32 @!p2 $0x0  }
0x16: {  	s3 =	sld [smem:$0x3FDB];
	s0 =	simm.s32 @p2 $0x1  }
0x17: {  	s4 =	simm.s32 $0x1BF5;
	[smem:$0x3FAA] =	sst s0  }
0x18: {  	s0 =	sld [smem:$0x3F8D];
	_ =	swait.ge [sflag:s4], $0x0  }
0x19: {  	s7 =	sld [smem:$0x3F8E]  }
0x1a: {  	s8 =	sadd.s32 $0xFFFFE003, lr  }
0x1b: {  	s9 =	sadd.s32 $0xFFFFFEF7, lr;
	s5 =	simm.s32 $0xFFFFFFFF;
	p2 =	slt.u32 s8, $0xFFFFF086  }
0x1c: {  	p1 =	slt.u32 s9, $0xF7A;
	s5 =	simm.s32 @!p2 $0x0  }
0x1d: {  	s5 =	simm.s32 @p1 $0x1;
	p0 =	seq.s32 s7, s2  }
0x1e: {  	s7 =	smul.u32 @!p0 $0xF7A, s2;
	p2 =	seq.s32 @!p0 s5, $0x0  }
0x1f: {  	s9 =	smul.u32 $0xF7A, s1;
	s8 =	simm.s32 @!p0 $0x1BF5;
	p2 =	por !p2, p0  }
0x20: {  	[sflag:s8] =	ssyncset.s32 @!p0 $0xFFFFF086;
	s6 =	sadd.s32 @!p0 s3, s7;
	s7 =	simm.s32 @!p0 $0x108  }
0x21: {  	s3 =	sadd.s32 s3, s9;
	s6 =	sadd.s32 @!p0 $0x88, s6;
	s7 =	simm.s32 @p2 $0x1082  }
0x22: {  	[simem:s7], [sflag:s8] =	dma.local @!p0 [hbm:s6], $0xF7A  }
0x23: {  	s9 =	sor.u32 $0xD0000000, s2;
	s6 =	simm.s32 $0x108;
	_ =	swait.ge @!p0 [sflag:s8], $0x0  }
0x24: {  	s3 =	sadd.s32 $0x88, s3;
	s6 =	simm.s32 @!p1 $0x1082;
	[sflag:s4] =	ssyncset.s32 $0xFFFFF086  }
0x25: {  	[simem:s6], [sflag:s4] =	dma.local [hbm:s3], $0xF7A  }
0x26: {  	[smem:$0x3F8E] =	sst s1;
	(tag) =	ssettag s2;
	_ =	strace s9  }
0x27: {  	s1 =	sld [smem:$0x3F9E]  }
0x28: {  	s2 =	sld [smem:$0x3F9F]  }
0x29: {  	s4 =	sld [smem:$0x3FA1]  }
0x2a: {  	p0 =	seq.s32 s5, $0x0;
	s5 =	sld [smem:$0x3FA2]  }
0x2b: {  	s6 =	sld [smem:$0x3FA3]  }
0x2c: {  	s7 =	sld [smem:$0x3FA4]  }
0x2d: {  	s3 =	simm.s32 $0x108;
	s8 =	sld [smem:$0x3FA5]  }
0x2e: {  	s3 =	simm.s32 @!p0 $0x1082;
	s9 =	sld [smem:$0x3FA6]  }
0x2f: {  	lr =	sadd.s32 s0, s3;
	s0 =	sld [smem:$0x3F9D]  }
0x30: {  	s3 =	sld [smem:$0x3FA0]  }
0x31: {  	[smem:$0x3FA9] =	sst s10  }
0x32: {  	s10 =	sld [smem:$0x3FA7];
	_ =	sdelay $0x3  }
0x33: {  	p0 =	seq.s32 s10, $0x1;
	s10 =	sld [smem:$0x3FA9];
	_ =	sdelay $0x3  }
0x34: {  	[smem:$0x3FA9] =	sst s10  }
0x35: {  	s10 =	sld [smem:$0x3FA8];
	_ =	sdelay $0x3  }
0x36: {  	p1 =	seq.s32 s10, $0x1;
	s10 =	sld [smem:$0x3FA9];
	_ =	sdelay $0x3  }
0x37: {  	[smem:$0x3FA9] =	sst s10  }
0x38: {  	s10 =	sld [smem:$0x3FAA]  }
0x39: {  	_ = 	snop;
	(pc) =	sbr.ind lr, $3  }
0x3a: {  	_ = 	snop  }
0x3b: {  	_ = 	snop  }
0x3c: {  	p2 =	seq.s32 s10, $0x1;
	s10 =	sld [smem:$0x3FA9]  }
0x3d: {  	_ =	shalt  }
0x3e: {  	_ =	shalt  }
0x3f: {  	_ =	shalt  }
0x40: {  	_ =	shalt  }
0x41: {  	_ =	shalt  }
0x42: {  	_ =	shalt  }
0x43: {  	_ =	shalt  }
0x44: {  	_ =	shalt  }
0x45: {  	_ =	shalt  }
0x46: {  	_ =	shalt  }
0x47: {  	_ =	shalt  }
0x48: {  	_ =	shalt  }
0x49: {  	_ =	shalt  }
0x4a: {  	_ =	shalt  }
0x4b: {  	_ =	shalt  }
0x4c: {  	_ =	shalt  }
0x4d: {  	_ =	shalt  }
0x4e: {  	_ =	shalt  }
0x4f: {  	_ =	shalt  }
0x50: {  	_ =	shalt  }
0x51: {  	_ =	shalt  }
0x52: {  	_ =	shalt  }
0x53: {  	_ =	shalt  }
0x54: {  	_ =	shalt  }
0x55: {  	_ =	shalt  }
0x56: {  	_ =	shalt  }
0x57: {  	_ =	shalt  }
0x58: {  	_ =	shalt  }
0x59: {  	_ =	shalt  }
0x5a: {  	_ =	shalt  }
0x5b: {  	_ =	shalt  }
0x5c: {  	_ =	shalt  }
0x5d: {  	_ =	shalt  }
0x5e: {  	_ =	shalt  }
0x5f: {  	_ =	shalt  }
0x60: {  	_ =	shalt  }
0x61: {  	_ =	shalt  }
0x62: {  	_ =	shalt  }
0x63: {  	_ =	shalt  }
0x64: {  	_ =	shalt  }
0x65: {  	_ =	shalt  }
0x66: {  	_ =	shalt  }
0x67: {  	_ =	shalt  }
0x68: {  	_ =	shalt  }
0x69: {  	_ =	shalt  }
0x6a: {  	_ =	shalt  }
0x6b: {  	_ =	shalt  }
0x6c: {  	_ =	shalt  }
0x6d: {  	_ =	shalt  }
0x6e: {  	_ =	shalt  }
0x6f: {  	_ =	shalt  }
0x70: {  	_ =	shalt  }
0x71: {  	_ =	shalt  }
0x72: {  	_ =	shalt  }
0x73: {  	_ =	shalt  }
0x74: {  	_ =	shalt  }
0x75: {  	_ =	shalt  }
0x76: {  	_ =	shalt  }
0x77: {  	_ =	shalt  }
0x78: {  	_ =	shalt  }
0x79: {  	_ =	shalt  }
0x7a: {  	_ =	shalt  }
0x7b: {  	_ =	shalt  }
0x7c: {  	_ =	shalt  }
0x7d: {  	_ =	shalt  }
0x7e: {  	_ =	shalt  }
0x7f: {  	_ =	shalt  }
0x80: {  	_ =	shalt  }
0x81: {  	_ =	shalt  }
0x82: {  	_ =	shalt  }
0x83: {  	_ =	shalt  }
0x84: {  	_ =	shalt  }
0x85: {  	_ =	shalt  }
0x86: {  	_ =	shalt  }
0x87: {  	_ =	shalt  }
.Lfunc_end0:
.L_simem_size_0:
called_computation_lowered:
.L_overlay_start_0:
0x88: {  	s2 =	sld [smem:$0x3FD9]  }
0x89: {  	s3 =	sld [smem:$0x3FFE];
	_ =	sdelay $0x1  }
0x8a: {  	s1 =	srdreg.scid  }
0x8b: {  	s0 =	sand.u32 $0x1, s1  }
0x8c: {  	s17 =	sshll.u32 s0, $0xA;
	s2 =	sadd.s32 s3, s2  }
0x8d: {  	s2 =	sadd.s32 s2, s17  }
0x8e: {  	[smem:$0x3FB5] =	sst s2  }
0x8f: {  	_ = 	snop  }
0x90: {  	s2 =	sld [smem:$0x3FD0];
	(tm) =	ssettm $0x1  }
0x91: {  	s18 =	sld [smem:$0x3FFB];
	_ =	sdelay $0x3  }
0x92: {  	_ =	strace s18  }
0x93: {  	s3 =	sld [smem:$0x3FFC];
	_ =	sdelay $0x3  }
0x94: {  	_ =	strace s3  }
0x95: {  	s3 =	sld [smem:$0x3FFD];
	_ =	sdelay $0x3  }
0x96: {  	_ =	strace s3  }
0x97: {  	_ =	strace $0x8FFFFFFF  }
0x98: {  	s19 =	sld [smem:$0x3FDB];
	_ =	sdelay $0x1  }
0x99: {  	s4 =	simm.s32 $_scs_section_size  }
0x9a: {  	s5 =	simm.s32 $_size__tile_overlayer_lowered;
	s6 =	simm.s32 $_tile_overlayer_lowered  }
0x9b: {  	s22 =	simm.s32 $0x1BFF;
	s21 =	sshll.u32 s6, $0x1;
	s3 =	sadd.s32 s4, s19  }
0x9c: {  	s7 =	simm.s32 $0x0;
	s20 =	sshll.u32 s5, $0x1;
	s5 =	sadd.s32 s21, s3  }
0x9d: {  	[timem:s7], [sflag:s22] =	dma.local [hbm:s5], s20  }
0x9e: {  	_ =	swait.ge [sflag:s22], s20  }
0x9f: {  	s4 =	ssub.s32 $0x0, s20;
	[sflag:s22] =	ssyncset.done $0x0  }
0xa0: {  	[sflag:s22] =	ssyncadd.s32 s4;
	_ =	sdelay $0x1  }
0xa1: {  	s23 =	simm.s32 $0x1B8B  }
0xa2: {  	_ =	swait.ge [sflag:s23], $0x1  }
0xa3: {  	[sflag:s23] =	ssyncset.done $0x0  }
0xa4: {  	s25 =	simm.s32 $0x1B8E;
	s24 =	sld [smem:$0x3FFE];
	[sflag:s23] =	ssyncadd.s32 $0xFFFFFFFF  }
0xa5: {  	s26 =	simm.s32 $execute0_lowered;
	[smem:$0x3FD2] =	sst s25  }
0xa6: {  	s5 =	sshll.u32 s26, $0x1;
	_ =	strace $0x80000046;
	[dreg:$0x1] =	wrdreg $0xFFFFFFFF  }
0xa7: {  	s28 =	simm.s32 $_size_execute0_lowered;
	s3 =	sadd.s32 s3, s5;
	[dreg:$0x0] =	wrdreg $0x0  }
0xa8: {  	s5 =	sshll.u32 s28, $0x1;
	[dreg:$0x2] =	wrdreg s3  }
0xa9: {  	[dreg:$0x3] =	wrdreg s5  }
0xaa: {  	[dreg:$0x4] =	wrdreg $0xC0  }
0xab: {  	_ =	task [dreg:s7], $0x5FFFF  }
0xac: {  	[dreg:$0x1] =	wrdreg $0xFFFFFFFF  }
0xad: {  	[dreg:$0x0] =	wrdreg $0x60  }
0xae: {  	[dreg:$0x2] =	wrdreg s24  }
0xaf: {  	[dreg:$0x3] =	wrdreg s2  }
0xb0: {  	[dreg:$0x4] =	wrdreg $0x9  }
0xb1: {  	_ =	task.clear_ibuf [dreg:s7], $0x5FFFF;
	_ =	strace $0x90000046  }
0xb2: {  	s29 =	simm.s32 $0x9;
	_ =	strace $0x80000048  }
0xb3: {  	_ =	swait.ge [sflag:s29], $0x1  }
0xb4: {  	[sflag:s29] =	ssyncadd.s32 $0xFFFFFFFF  }
0xb5: {  	_ =	strace $0x90000048  }
0xb6: {  	_ =	sfence  }
0xb7: {  	s30 =	sld [smem:$0x0];
	_ =	sdelay $0x2  }
0xb8: {  	s31 =	sshll.u32 s1, $0xD;
	s1 =	sshrl.u32 s1, $0x2  }
0xb9: {  	s3 =	sand.u32 $0x4000, s31;
	s1 =	sadd.s32 s1, s30  }
0xba: {  	s0 =	sor.u32 s3, s0;
	s1 =	sshll.u32 s1, $0x11  }
0xbb: {  	s0 =	sor.u32 s1, s0  }
0xbc: {  	s0 =	sadd.s32 $0x8F2B, s0  }
0xbd: {  	[sflag:s0] =	ssyncadd.remote.s32 $0x1  }
0xbe: {  	_ =	sfence.sel $0xFFFF  }
0xbf: {  	[dreg:$0x0] =	wrdreg $0xFFFFFFFF;
	(pc) =	sbr.abs _section_cstart, $3  }
0xc0: {  	[dreg:$0x1] =	wrdreg $0xFFFFFFFF  }
0xc1: {  	_ =	task.clear_ibuf [dreg:s7], $0x2FFFF;
	_ =	strace $0x9FFFFFFF  }
0xc2: {  	(tm) =	ssettm $0x7FFFFFFF  }
0xc3: {  	_ =	shalt  }
tec
execute0_lowered:
.L_overlay_start_1:
0x0: {  	(tag) =	ssettag $0x1  }
0x1: {  	s0 =	stileid.u32;
	s5 =	rddreg [dreg:$0x0]  }
0x2: {  	s1 =	srdreg.scid;
	s7 =	rddreg [dreg:$0x1];
	s3 =	simm.s32 $0x0  }
0x3: {  	s11 =	simm.s32 $0x20000;
	s12 =	simm.s32 $0xC000;
	s13 =	simm.s32 $0xC800  }
0x4: {  	s14 =	simm.s32 $0xCC00;
	s15 =	simm.s32 $0x2000;
	s16 =	simm.s32 $0x0  }
0x5: {  	s2 =	sshll.u32 s0, $0x1;
	s4 =	sand.u32 $0x1, s1;
	s1 =	rddreg [dreg:$0x2]  }
0x6: {  	s29 =	sshrl.u32 s0, $0x1;
	[smem:$0x7FF] =	sst s3;
	s28 =	sand.u32 $0x2, s2  }
0x7: {  	s31 =	sshll.u32 s0, $0xA;
	s2 =	sand.u32 $0x1, s29;
	s6 =	sor.u32 s4, s28  }
0x8: {  	_ =	strace $0x80000047;
	s4 =	ssub.s32 $0x2, s4;
	s8 =	sshll.u32 s6, $0x1  }
0x9: {  	s9 =	sshll.u32 s6, $0x8;
	s6 =	smul.u32 $0xC000, s6;
	s8 =	sor.u32 s2, s8  }
0xa: {  	s30 =	sshrl.u32 s4, $0x1;
	s9 =	sadd.s32 s9, s5;
	s8 =	smul.u32 $0x1800, s8  }
0xb: {  	s10 =	ssub.s32 s4, s30;
	s6 =	sadd.s32 s7, s6;
	s7 =	sadd.s32 $0xDE00, s9  }
0xc: {  	v0 =	vlaneseq.u32;
	s9 =	simm.s32 $0x1;
	s8 =	sadd.s32 s8, s5;
	s5 =	sand.u32 $0x3000, s31  }
0xd: {  	v1 =	vmul.u32 $0x80, v0;
	s4 =	sadd.s32 $0x1E00, s8;
	s8 =	smax.u32 s10, $0x1;
	s10 =	simm.s32 $0x400  }
.LBB2_1:
0xe: {  	[tilespmem:s3], [sflag:$0x1] =	stream.linear.gather [hbm4b:s4+s3], $0xC000, $0x38;
	[tilespmem:$0x10C00] =	vst v63  }
0xf: {  	_ =	swait.ge [sflag:s9], $0xC000  }
0x10: {  	[sflag:s9] =	ssyncset.done $0x0  }
0x11: {  	s17 =	simm.s32 $0x0;
	[sflag:s9] =	ssyncadd.s32 $0xFFFF4000  }
.LBB2_2:
0x12: {  	s18 =	sshll.u32 s17, $0x7  }
0x13: {  	s18 =	sadd.s32 s5, s18  }
0x14: {  	s19 =	sadd.s32 s18, s6  }
0x15: {  	[tilespmem:s12], [sflag:$0x1] =	stream.strided.gather [hbm4b:s19+s10], $0x800, s11, s10, $0x38;
	[tilespmem:$0x10C00] =	vst v63  }
0x16: {  	s20 =	sadd.s32 $0x8000, s19;
	s19 =	simm.s32 $0x0  }
0x17: {  	[tilespmem:s13], [sflag:$0x1] =	stream.linear.gather [hbm4b:s20+s19], $0x280, $0x38;
	[tilespmem:$0x10C00] =	vst v63  }
0x18: {  	_ =	swait.ge [sflag:s9], $0xA80  }
0x19: {  	[sflag:s9] =	ssyncset.done $0x0  }
0x1a: {  	s20 =	simm.s32 $0x0;
	[sflag:s9] =	ssyncadd.s32 $0xFFFFF580  }
.LBB2_3:
0x1b: {  	s21 =	sshll.u32 s20, $0x4  }
0x1c: {  	v2 =	vld [tilespmem:s21+$0xC000]  }
0x1d: {  	v3 =	vld [tilespmem:s21+$0xC080]  }
0x1e: {  	v4 =	vld [tilespmem:s21+$0xC180]  }
0x1f: {  	v5 =	vld [tilespmem:s21+$0xC100]  }
0x20: {  	v6 =	vld [tilespmem:s21+$0xC280]  }
0x21: {  	v7 =	vld [tilespmem:s21+$0xC200]  }
0x22: {  	v9 =	vld [tilespmem:s21+$0xC380]  }
0x23: {  	v10 =	vld [tilespmem:s21+$0xC300]  }
0x24: {  	v11 =	vld [tilespmem:s21+$0xC400];
	v2 =	vshll.u32 v2, $0x6;
	v8 =	vand.u32 $0x1F, v4  }
0x25: {  	v13 =	vld [tilespmem:s21+$0xC600];
	vm0 =	veq.s32 v5, $0xA;
	v4 =	vadd.s32 $0xE0, v4;
	v12 =	vshll.u32 v3, $0x6  }
0x26: {  	v19 =	vld [tilespmem:s21+$0xC700];
	vm8 =	veq.s32 v7, $0xA;
	v14 =	vshll.u32 v5, $0x6;
	v8 =	vor.u32 $0x1E0, v8  }
0x27: {  	v17 =	vshll.u32 v7, $0x6;
	v3 =	vsel vm0, v8, v4;
	v4 =	vand.u32 $0x1F, v6;
	v8 =	vld [tilespmem:s21+$0xC480]  }
0x28: {  	v24 =	vld [tilespmem:s21+$0xCA00];
	v5 =	vand.u32 $0x1F, v9;
	v6 =	vadd.s32 $0xE0, v6;
	v4 =	vor.u32 $0x1E0, v4  }
0x29: {  	vm9 =	veq.s32 v10, $0xA;
	v9 =	vadd.s32 $0xE0, v9;
	v4 =	vsel vm8, v4, v6;
	v6 =	vld [tilespmem:s21+$0xC580]  }
0x2a: {  	v7 =	vld [tilespmem:s21+$0xC500];
	v18 =	vshll.u32 v10, $0x6;
	vm10 =	veq.s32 v11, $0xA;
	v20 =	vshll.u32 v11, $0x6  }
0x2b: {  	vm12 =	veq.s32 v13, $0xA;
	v22 =	vshll.u32 v13, $0x6;
	v5 =	vor.u32 $0x1E0, v5  }
0x2c: {  	v10 =	vld [tilespmem:s21+$0xC680];
	vm13 =	veq.s32 v19, $0xA;
	v5 =	vsel vm9, v5, v9;
	v9 =	vand.u32 $0x1F, v8  }
0x2d: {  	v19 =	vshll.u32 v19, $0x6;
	v8 =	vadd.s32 $0xE0, v8;
	v9 =	vor.u32 $0x1E0, v9  }
0x2e: {  	v15 =	vld [tilespmem:s21+$0xC780];
	v24 =	vshll.u32 v24, $0x6;
	v8 =	vsel vm10, v9, v8;
	v9 =	vand.u32 $0x1F, v6  }
0x2f: {  	v11 =	vld [tilespmem:s21+$0xC800];
	vm11 =	veq.s32 v7, $0xA;
	v16 =	vadd.s32 $0xE0, v6;
	v9 =	vor.u32 $0x1E0, v9  }
0x30: {  	v17 =	vadd.s32 $0x3000, v17;
	v6 =	vshll.u32 v8, $0x6;
	v8 =	vsel vm11, v9, v16;
	v9 =	vld [tilespmem:s21+$0xC880]  }
0x31: {  	v21 =	vshll.u32 v7, $0x6;
	v7 =	vshll.u32 v8, $0x6;
	v8 =	vand.u32 $0x1F, v10  }
0x32: {  	v13 =	vld [tilespmem:s21+$0xC980];
	v18 =	vadd.s32 $0x3000, v18;
	v10 =	vadd.s32 $0xE0, v10;
	v8 =	vor.u32 $0x1E0, v8  }
0x33: {  	v19 =	vadd.s32 $0x3000, v19;
	v16 =	vld [tilespmem:s21+$0xC900];
	v8 =	vsel vm12, v8, v10;
	v10 =	vand.u32 $0x1F, v15  }
0x34: {  	v20 =	vadd.s32 $0x3000, v20;
	v15 =	vadd.s32 $0xE0, v15;
	v10 =	vor.u32 $0x1E0, v10  }
0x35: {  	vm14 =	veq.s32 v11, $0xA;
	v10 =	vsel vm13, v10, v15;
	v15 =	vand.u32 $0x1F, v9  }
0x36: {  	v23 =	vadd.s32 $0xE0, v9;
	v15 =	vor.u32 $0x1E0, v15;
	v9 =	vshll.u32 v10, $0x6  }
0x37: {  	v10 =	vsel vm14, v15, v23;
	v23 =	vshll.u32 v11, $0x6;
	v11 =	vand.u32 $0x1F, v13  }
0x38: {  	vm15 =	veq.s32 v16, $0xA;
	v13 =	vadd.s32 $0xE0, v13;
	v11 =	vor.u32 $0x1E0, v11  }
0x39: {  	v22 =	vadd.s32 $0x3000, v22;
	v11 =	vsel vm15, v11, v13;
	v13 =	vadd.s32 s19, v0  }
0x3a: {  	v15 =	vshll.u32 v16, $0x6;
	v10 =	vshll.u32 v10, $0x6;
	v27 =	vand.u32 $0x3F, v13  }
0x3b: {  	v4 =	vshll.u32 v4, $0x6;
	v13 =	vadd.s32 $0x3000, v15;
	v25 =	vor.u32 v10, v27  }
0x3c: {  	v16 =	vmov s21;
	v15 =	vadd.s32 $0x3000, v14;
	v14 =	vor.u32 v13, v27  }
0x3d: {  	v26 =	vshll.u32 v16, $0x7;
	v16 =	vadd.s32 $0x2000, v12;
	v12 =	vor.u32 v15, v27  }
0x3e: {  	v24 =	vadd.s32 $0x8000, v24;
	v3 =	vshll.u32 v3, $0x6;
	v28 =	vor.u32 v4, v27  }
0x3f: {  	v5 =	vshll.u32 v5, $0x6;
	v21 =	vadd.s32 $0x3000, v21;
	v30 =	vor.u32 v19, v27  }
0x40: {  	v8 =	vshll.u32 v8, $0x6;
	v23 =	vadd.s32 $0x3000, v23;
	v32 =	vor.u32 v20, v27;
	v37 =	vld.idx.msk [tilespmem:v25+s3+$0x0], $0xffff  }
0x41: {  	v11 =	vshll.u32 v11, $0x6;
	v34 =	vor.u32 v9, v27;
	v51 =	vshll.u32 v27, $0x1;
	v33 =	vld.idx.msk [tilespmem:v14+s3+$0x0], $0xffff  }
0x42: {  	v29 =	vor.u32 v11, v27;
	v46 =	vor.u32 v6, v27;
	v42 =	vld.idx.msk [tilespmem:v12+s3+$0x0], $0xffff;
	v12 =	vor.u32 v7, v27  }
0x43: {  	v31 =	vor.u32 v8, v27;
	v47 =	vor.u32 v18, v27;
	v43 =	vld.idx.msk [tilespmem:v28+s3+$0x0], $0xffff;
	v14 =	vor.u32 v22, v27  }
0x44: {  	v35 =	vor.u32 v5, v27;
	v48 =	vor.u32 v2, v27;
	v40 =	vor.u32 v16, v27;
	v36 =	vld.idx.msk [tilespmem:v30+s3+$0x0], $0xffff  }
0x45: {  	v49 =	vor.u32 v3, v27;
	v41 =	vor.u32 v17, v27;
	v25 =	vor.u32 v1, v26;
	v44 =	vld.idx.msk [tilespmem:v32+s3+$0x0], $0xffff  }
0x46: {  	v28 =	vor.u32 v24, v27;
	v30 =	vor.u32 v23, v27;
	v32 =	vor.u32 v21, v27;
	v38 =	vld.idx.msk [tilespmem:v34+s3+$0x0], $0xffff  }
0x47: {  	v26 =	vor.u32 $0x1, v25;
	v34 =	vand.u32 $0xFFFF0000, v37;
	v45 =	vld.idx.msk [tilespmem:v12+s3+$0x0], $0xffff;
	v27 =	vand.u32 $0xFFFF0000, v33  }
0x48: {  	s21 =	simm.s32 $0x1;
	v50 =	vand.u32 $0xFFFF0000, v42;
	v39 =	vld.idx.msk [tilespmem:v14+s3+$0x0], $0xffff;
	v14 =	vor.u32 v25, v51;
	v12 =	vor.u32 v26, v51  }
.LBB2_4:
0x49: {  	p0 =	sne.s32 s21, $0x3F;
	v42 =	vshll.u32 v42, $0x10;
	v51 =	vshll.u32 v43, $0x10;
	v43 =	vand.u32 $0xFFFF0000, v43;
	v46 =	vld.idx.msk [tilespmem:v46+s3+$0x0], $0xffff  }
0x4a: {  	v42 =	vadd.f32 v51, v42;
	v43 =	vadd.f32 v43, v50;
	v47 =	vld.idx.msk [tilespmem:v47+s3+$0x0], $0xffff;
	v50 =	vand.u32 $0xFFFF0000, v36  }
0x4b: {  	v37 =	vshll.u32 v37, $0x10;
	v51 =	vshll.u32 v44, $0x10;
	v44 =	vand.u32 $0xFFFF0000, v44;
	v48 =	vld.idx.msk [tilespmem:v48+s3+$0x0], $0xffff  }
0x4c: {  	v49 =	vld.idx.msk [tilespmem:v49+s3+$0x0], $0xffff;
	v42 =	vadd.f32 v51, v42;
	v43 =	vadd.f32 v44, v43;
	v44 =	vand.u32 $0xFFFF0000, v38  }
0x4d: {  	v33 =	vshll.u32 v33, $0x10;
	v51 =	vshll.u32 v45, $0x10;
	v45 =	vand.u32 $0xFFFF0000, v45;
	v40 =	vld.idx.msk [tilespmem:v40+s3+$0x0], $0xffff  }
0x4e: {  	v41 =	vld.idx.msk [tilespmem:v41+s3+$0x0], $0xffff;
	v42 =	vadd.f32 v51, v42;
	v43 =	vadd.f32 v45, v43;
	v45 =	vand.u32 $0xFFFF0000, v39  }
0x4f: {  	v36 =	vshll.u32 v36, $0x10;
	v38 =	vshll.u32 v38, $0x10;
	v51 =	vand.u32 $0xFFFF0000, v46  }
0x50: {  	v52 =	vand.u32 $0xFFFF0000, v47;
	v35 =	vld.idx.msk [tilespmem:v35+s3+$0x0], $0xffff;
	v36 =	vadd.f32 v36, v42;
	v42 =	vadd.f32 v50, v43  }
0x51: {  	v46 =	vshll.u32 v46, $0x10;
	v39 =	vshll.u32 v39, $0x10;
	v43 =	vand.u32 $0xFFFF0000, v48  }
0x52: {  	v50 =	vand.u32 $0xFFFF0000, v49;
	v32 =	vld.idx.msk [tilespmem:v32+s3+$0x0], $0xffff;
	v36 =	vadd.f32 v37, v36;
	v34 =	vadd.f32 v34, v42  }
0x53: {  	v47 =	vshll.u32 v47, $0x10;
	v37 =	vshll.u32 v48, $0x10;
	v42 =	vand.u32 $0xFFFF0000, v40  }
0x54: {  	v40 =	vshll.u32 v40, $0x10;
	v48 =	vshll.u32 v49, $0x10;
	v49 =	vshll.u32 v41, $0x10;
	v31 =	vld.idx.msk [tilespmem:v31+s3+$0x0], $0xffff  }
0x55: {  	v37 =	vadd.f32 v48, v37;
	v41 =	vand.u32 $0xFFFF0000, v41;
	v40 =	vadd.f32 v49, v40  }
0x56: {  	v43 =	vadd.f32 v50, v43;
	v41 =	vadd.f32 v41, v42;
	v42 =	vshll.u32 v35, $0x10;
	v30 =	vld.idx.msk [tilespmem:v30+s3+$0x0], $0xffff  }
0x57: {  	v37 =	vadd.f32 v47, v37;
	v35 =	vand.u32 $0xFFFF0000, v35;
	v40 =	vadd.f32 v42, v40  }
0x58: {  	v42 =	vadd.f32 v52, v43;
	v35 =	vadd.f32 v35, v41;
	v41 =	vshll.u32 v32, $0x10;
	v29 =	vld.idx.msk [tilespmem:v29+s3+$0x0], $0xffff  }
0x59: {  	v37 =	vadd.f32 v46, v37;
	v32 =	vand.u32 $0xFFFF0000, v32;
	v40 =	vadd.f32 v41, v40  }
0x5a: {  	v41 =	vadd.f32 v51, v42;
	v32 =	vadd.f32 v32, v35;
	v35 =	vshll.u32 v31, $0x10;
	v28 =	vld.idx.msk [tilespmem:v28+s3+$0x0], $0xffff  }
0x5b: {  	v37 =	vadd.f32 v39, v37;
	v31 =	vand.u32 $0xFFFF0000, v31;
	v35 =	vadd.f32 v35, v40  }
0x5c: {  	v39 =	vadd.f32 v45, v41;
	v31 =	vadd.f32 v31, v32;
	v32 =	vshll.u32 v30, $0x10  }
0x5d: {  	v37 =	vadd.f32 v38, v37;
	v30 =	vand.u32 $0xFFFF0000, v30;
	v32 =	vadd.f32 v32, v35  }
0x5e: {  	v35 =	vadd.f32 v44, v39;
	v30 =	vadd.f32 v30, v31;
	v31 =	vshll.u32 v29, $0x10  }
0x5f: {  	v33 =	vadd.f32 v33, v37;
	v29 =	vand.u32 $0xFFFF0000, v29;
	v31 =	vadd.f32 v31, v32  }
0x60: {  	v27 =	vadd.f32 v27, v35;
	v29 =	vadd.f32 v29, v30;
	v30 =	vshll.u32 v28, $0x10  }
0x61: {  	v28 =	vand.u32 $0xFFFF0000, v28;
	v30 =	vadd.f32 v30, v36;
	v31 =	vadd.f32 v31, v33  }
0x62: {  	v32 =	vadd.s32 s21, v0;
	v28 =	vadd.f32 v28, v34;
	v27 =	vadd.f32 v29, v27  }
0x63: {  	v39 =	vand.u32 $0x3F, v32;
	v29 =	vadd.f32 v30, v31  }
0x64: {  	v30 =	vor.u32 v10, v39;
	v27 =	vadd.f32 v28, v27  }
0x65: {  	v28 =	vor.u32 v13, v39;
	[tilespmem:v14+s14+$0x0] =	vst.idx.msk $0xffff, v29  }
0x66: {  	v14 =	vor.u32 v15, v39;
	[tilespmem:v12+s14+$0x0] =	vst.idx.msk $0xffff, v27  }
0x67: {  	v12 =	vor.u32 v4, v39  }
0x68: {  	v27 =	vor.u32 v19, v39  }
0x69: {  	v32 =	vor.u32 v20, v39;
	v37 =	vld.idx.msk [tilespmem:v30+s3+$0x0], $0xffff  }
0x6a: {  	v34 =	vor.u32 v9, v39;
	v33 =	vld.idx.msk [tilespmem:v28+s3+$0x0], $0xffff  }
0x6b: {  	v51 =	vshll.u32 v39, $0x1;
	v42 =	vld.idx.msk [tilespmem:v14+s3+$0x0], $0xffff;
	v14 =	vor.u32 v7, v39  }
0x6c: {  	v29 =	vor.u32 v11, v39;
	v28 =	vor.u32 v24, v39;
	v43 =	vld.idx.msk [tilespmem:v12+s3+$0x0], $0xffff;
	v12 =	vor.u32 v22, v39  }
.Ltmp0:
0x6d: {  	v46 =	vor.u32 v6, v39;
	v31 =	vor.u32 v8, v39;
	v30 =	vor.u32 v23, v39;
	v36 =	vld.idx.msk [tilespmem:v27+s3+$0x0], $0xffff;
	(pc) =	sbr.rel @p0 .LBB2_4-.Ltmp0, $4  }
0x6e: {  	v47 =	vor.u32 v18, v39;
	v35 =	vor.u32 v5, v39;
	v44 =	vld.idx.msk [tilespmem:v32+s3+$0x0], $0xffff;
	v32 =	vor.u32 v21, v39  }
0x6f: {  	v48 =	vor.u32 v2, v39;
	v40 =	vor.u32 v16, v39;
	v38 =	vld.idx.msk [tilespmem:v34+s3+$0x0], $0xffff;
	v34 =	vand.u32 $0xFFFF0000, v37  }
0x70: {  	v49 =	vor.u32 v3, v39;
	v41 =	vor.u32 v17, v39;
	v27 =	vand.u32 $0xFFFF0000, v33;
	v45 =	vld.idx.msk [tilespmem:v14+s3+$0x0], $0xffff  }
0x71: {  	s21 =	sadd.s32 $0x1, s21;
	v50 =	vand.u32 $0xFFFF0000, v42;
	v14 =	vor.u32 v25, v51;
	v39 =	vld.idx.msk [tilespmem:v12+s3+$0x0], $0xffff;
	v12 =	vor.u32 v26, v51  }
0x72: {  	_ =	sdelay $0x3  }
0x73: {  	v5 =	vld.idx.msk [tilespmem:v46+s3+$0x0], $0xffff  }
0x74: {  	v2 =	vshll.u32 v42, $0x10;
	v3 =	vshll.u32 v43, $0x10;
	v4 =	vand.u32 $0xFFFF0000, v43;
	v6 =	vld.idx.msk [tilespmem:v47+s3+$0x0], $0xffff  }
0x75: {  	v62 =	vand.u32 $0xFFFF0000, v36;
	v9 =	vshll.u32 v37, $0x10;
	v10 =	vld.idx.msk [tilespmem:v48+s3+$0x0], $0xffff;
	v15 =	vshll.u32 v33, $0x10  }
0x76: {  	v26 =	vld.idx.msk [tilespmem:v49+s3+$0x0], $0xffff;
	v18 =	vshll.u32 v36, $0x10;
	v2 =	vadd.f32 v3, v2;
	v3 =	vadd.f32 v4, v50  }
0x77: {  	v16 =	vld.idx.msk [tilespmem:v40+s3+$0x0], $0xffff;
	v7 =	vshll.u32 v44, $0x10;
	v8 =	vand.u32 $0xFFFF0000, v44;
	v63 =	vand.u32 $0xFFFF0000, v38  }
0x78: {  	v37 =	vld.idx.msk [tilespmem:v41+s3+$0x0], $0xffff;
	v19 =	vshll.u32 v38, $0x10;
	v2 =	vadd.f32 v7, v2;
	v3 =	vadd.f32 v8, v3  }
0x79: {  	v11 =	vshll.u32 v45, $0x10;
	v13 =	vand.u32 $0xFFFF0000, v45;
	v33 =	vand.u32 $0xFFFF0000, v39  }
0x7a: {  	v21 =	vshll.u32 v39, $0x10;
	v2 =	vadd.f32 v11, v2;
	v3 =	vadd.f32 v13, v3  }
0x7b: {  	v40 =	vld.idx.msk [tilespmem:v35+s3+$0x0], $0xffff;
	v17 =	vand.u32 $0xFFFF0000, v5;
	v20 =	vand.u32 $0xFFFF0000, v6;
	v41 =	vand.u32 $0xFFFF0000, v10  }
0x7c: {  	v22 =	vand.u32 $0xFFFF0000, v26;
	v10 =	vshll.u32 v10, $0x10;
	v23 =	vand.u32 $0xFFFF0000, v16  }
0x7d: {  	v16 =	vshll.u32 v16, $0x10;
	v8 =	vshll.u32 v26, $0x10;
	v24 =	vshll.u32 v37, $0x10  }
0x7e: {  	v42 =	vld.idx.msk [tilespmem:v32+s3+$0x0], $0xffff;
	v43 =	vand.u32 $0xFFFF0000, v37;
	v8 =	vadd.f32 v8, v10;
	v44 =	vadd.f32 v24, v16  }
0x7f: {  	v6 =	vshll.u32 v6, $0x10;
	v45 =	vadd.f32 v22, v41;
	v10 =	vadd.f32 v43, v23  }
0x80: {  	v25 =	vld.idx.msk [tilespmem:v31+s3+$0x0], $0xffff;
	v46 =	vshll.u32 v40, $0x10;
	v2 =	vadd.f32 v18, v2;
	v3 =	vadd.f32 v62, v3  }
0x81: {  	v4 =	vand.u32 $0xFFFF0000, v40;
	v6 =	vadd.f32 v6, v8;
	v48 =	vadd.f32 v46, v44  }
0x82: {  	v47 =	vld.idx.msk [tilespmem:v30+s3+$0x0], $0xffff;
	v5 =	vshll.u32 v5, $0x10;
	v49 =	vadd.f32 v20, v45;
	v4 =	vadd.f32 v4, v10  }
0x83: {  	v50 =	vshll.u32 v42, $0x10;
	v2 =	vadd.f32 v9, v2;
	v3 =	vadd.f32 v34, v3  }
0x84: {  	v51 =	vld.idx.msk [tilespmem:v29+s3+$0x0], $0xffff;
	v52 =	vand.u32 $0xFFFF0000, v42;
	v5 =	vadd.f32 v5, v6;
	v8 =	vadd.f32 v50, v48  }
0x85: {  	v54 =	vshll.u32 v25, $0x10;
	v53 =	vadd.f32 v17, v49;
	v4 =	vadd.f32 v52, v4  }
0x86: {  	v55 =	vld.idx.msk [tilespmem:v28+s3+$0x0], $0xffff;
	v56 =	vand.u32 $0xFFFF0000, v25;
	v5 =	vadd.f32 v21, v5;
	v6 =	vadd.f32 v54, v8  }
0x87: {  	v58 =	vshll.u32 v47, $0x10;
	v57 =	vadd.f32 v33, v53;
	v4 =	vadd.f32 v56, v4  }
0x88: {  	v59 =	vand.u32 $0xFFFF0000, v47;
	v5 =	vadd.f32 v19, v5;
	v6 =	vadd.f32 v58, v6  }
0x89: {  	v60 =	vshll.u32 v51, $0x10;
	v7 =	vadd.f32 v63, v57;
	v4 =	vadd.f32 v59, v4  }
0x8a: {  	v61 =	vand.u32 $0xFFFF0000, v51;
	v5 =	vadd.f32 v15, v5;
	v6 =	vadd.f32 v60, v6  }
0x8b: {  	s20 =	sadd.s32 $0x1, s20;
	v62 =	vshll.u32 v55, $0x10;
	v7 =	vadd.f32 v27, v7;
	v4 =	vadd.f32 v61, v4  }
0x8c: {  	p0 =	sne.s32 s20, $0x8;
	v2 =	vadd.f32 v62, v2;
	v63 =	vand.u32 $0xFFFF0000, v55;
	v5 =	vadd.f32 v6, v5  }
.Ltmp1:
0x8d: {  	v3 =	vadd.f32 v63, v3;
	v4 =	vadd.f32 v4, v7;
	(pc) =	sbr.rel @p0 .LBB2_3-.Ltmp1, $4  }
0x8e: {  	v2 =	vadd.f32 v2, v5  }
0x8f: {  	v3 =	vadd.f32 v3, v4  }
0x90: {  	[tilespmem:v14+s14+$0x0] =	vst.idx.msk $0xffff, v2  }
0x91: {  	[tilespmem:v12+s14+$0x0] =	vst.idx.msk $0xffff, v3  }
0x92: {  	s18 =	sor.u32 s2, s18;
	s17 =	sadd.s32 $0x1, s17  }
0x93: {  	s18 =	sshll.u32 s18, $0x7;
	p0 =	sne.s32 s17, $0x20  }
.Ltmp2:
0x94: {  	s18 =	sadd.s32 s18, s7;
	(pc) =	sbr.rel @p0 .LBB2_2-.Ltmp2, $4  }
0x95: {  	[hbm4b:s18+s10] =	stream.strided.scatter [tilespmem:s14], [sflag:$0x1], $0x4000, s15, s10, $0x38;
	[tilespmem:$0x10C00] =	vst v63  }
0x96: {  	_ =	swait.ge [sflag:s9], $0x4000  }
0x97: {  	[sflag:s9] =	ssyncset.done $0x0  }
0x98: {  	[sflag:s9] =	ssyncadd.s32 $0xFFFFC000  }
0x99: {  	s16 =	sadd.s32 $0x1, s16  }
0x9a: {  	p0 =	sne.s32 s16, s8  }
.Ltmp3:
0x9b: {  	_ = 	snop;
	(pc) =	sbr.rel @p0 .LBB2_1-.Ltmp3, $1  }
0x9c: {  	_ =	sdelay $0x3  }
0x9d: {  	_ =	sfence.sel $0x180000  }
0x9e: {  	[bflag:$0x0] =	sbarrier.arrive $0xFFFF  }
0x9f: {  	p0 =	sne.s32 s0, $0x0;
	_ =	strace $0x90000047  }
0xa0: {  	s0 =	sadd.s32 @!p0 $0x100000, s1;
	[bflag:$0x2] =	sbarrier.arrive $0xFFFF  }
0xa1: {  	[sflag:s0] =	ssyncadd.tile.s32 @!p0 $0x1;
	_ =	shalt  }
.Lfunc_end2:
_tile_overlayer_lowered:
.L_overlay_start_2:
0xa2: {  	(tag) =	ssettag $0x2  }
0xa3: {  	s0 =	rddreg [dreg:$0x0];
	s2 =	stileid.u32  }
0xa4: {  	s1 =	rddreg [dreg:$0x1];
	p0 =	sne.s32 s2, $0x0  }
0xa5: {  	s3 =	rddreg [dreg:$0x2];
	[bflag:$0x3] =	sbarrier.arrive $0xFFFF;
	s2 =	simm.s32 @!p0 $0x1C01  }
0xa6: {  	[timem:s3], [sflag:s2] =	dma.local @!p0 [hbm:s0], s1  }
0xa7: {  	s0 =	simm.s32 @!p0 $0x1  }
0xa8: {  	_ =	swait.ge @!p0 [sflag:s0], s1  }
0xa9: {  	s1 =	ssub.s32 @!p0 $0x0, s1;
	[sflag:s0] =	ssyncset.done @!p0 $0x0  }
0xaa: {  	[sflag:s0] =	ssyncadd.s32 @!p0 s1  }
0xab: {  	[bflag:$0x3] =	sbarrier.arrive $0xFFFF  }
0xac: {  	_ =	shalt  }

</sc_bundles>
